<compile_context>
chip_gen: v7x
topology: tpu7x:2x2x1
jax: 0.10.2.dev20260603
libtpu: 0.0.44.dev20260713+nightly
codegen_flags: <defaults>
</compile_context>

<pallas_src>
import functools

import jax
import jax.numpy as jnp
from jax import lax
from jax.experimental import pallas as pl
from jax.experimental.pallas import tpu as pltpu
from jax.experimental.pallas import tpu_sc as plsc

B = 16384
D = 128
NC = 2
NS = 16
L = 16
NW = NC * NS
BPW = B // NW
C = 128
NCHUNK = BPW // C


def _sc_body(hidx, ridx, tidx, ent, rel, w16, b16, conf_out, part_out,
             idxh_v, idxr_v, idxt_v, h0, r0, t0, h1, r1, t1, conf_v,
             w_v, b_v, part_v, sem0, sem1):
    cid = lax.axis_index("c")
    sid = lax.axis_index("s")
    wid = sid * NC + cid
    base = wid * BPW

    pltpu.sync_copy(hidx.at[pl.ds(base, BPW)], idxh_v)
    pltpu.sync_copy(ridx.at[pl.ds(base, BPW)], idxr_v)
    pltpu.sync_copy(tidx.at[pl.ds(base, BPW)], idxt_v)
    pltpu.sync_copy(w16, w_v)
    pltpu.sync_copy(b16, b_v)
    lane = lax.iota(jnp.int32, L)
    zero = jnp.zeros((L,), jnp.float32)
    w = w_v[...]
    b = b_v[...]

    bufs = ((h0, r0, t0, sem0), (h1, r1, t1, sem1))

    def fire(cc, b_):
        hb, rb, tb, sem = bufs[b_]
        pltpu.async_copy(ent.at[idxh_v.at[pl.ds(cc * C, C)]], hb, sem)
        pltpu.async_copy(rel.at[idxr_v.at[pl.ds(cc * C, C)]], rb, sem)
        pltpu.async_copy(ent.at[idxt_v.at[pl.ds(cc * C, C)]], tb, sem)

    def drain(b_):
        hb, rb, tb, sem = bufs[b_]
        pltpu.make_async_copy(ent.at[idxh_v.at[pl.ds(0, C)]], hb, sem).wait()
        pltpu.make_async_copy(rel.at[idxr_v.at[pl.ds(0, C)]], rb, sem).wait()
        pltpu.make_async_copy(ent.at[idxt_v.at[pl.ds(0, C)]], tb, sem).wait()

    def compute_chunk(cc, b_, sq4):
        hb, rb, tb, _ = bufs[b_]

        def gbody(g, sq4):
            @plsc.parallel_loop(0, L, carry=(*sq4, zero), unroll=2)
            def jloop(j, carry):
                s0, s1, s2, s3, pv = carry
                row = g * L + j
                hs = [hb[row, pl.ds(L * k, L)] for k in range(8)]
                ts = [tb[row, pl.ds(L * k, L)] for k in range(8)]
                rs = [rb[row, pl.ds(L * k, L)] for k in range(8)]
                ms = [(hs[k] * ts[k]) * rs[k] for k in range(8)]
                p_sum = jnp.sum(((ms[0] + ms[1]) + (ms[2] + ms[3])) +
                                ((ms[4] + ms[5]) + (ms[6] + ms[7])))
                pv = jnp.where(lane == j, p_sum, pv)
                accs = [s0, s1, s2, s3]
                vs = hs + ts + rs
                for k in range(24):
                    accs[k % 4] = accs[k % 4] + vs[k] * vs[k]
                return (*accs, pv)

            s0, s1, s2, s3, pv = jloop
            z = pv * w + b
            conf_v[pl.ds(cc * C + g * L, L)] = 1.0 / (1.0 + jnp.exp(-z))
            return (s0, s1, s2, s3)

        return lax.fori_loop(0, C // L, gbody, sq4)

    sq4 = (zero, zero, zero, zero)
    fire(0, 0)
    for cc in range(NCHUNK):
        drain(cc % 2)
        if cc + 1 < NCHUNK:
            fire(cc + 1, (cc + 1) % 2)
        sq4 = compute_chunk(cc, cc % 2, sq4)

    part_v[...] = ((sq4[0] + sq4[1]) + (sq4[2] + sq4[3]))
    pltpu.sync_copy(conf_v, conf_out.at[pl.ds(base, BPW)])
    pltpu.sync_copy(part_v, part_out.at[wid])


_sc_call = functools.partial(
    pl.kernel,
    out_type=[
        jax.ShapeDtypeStruct((B,), jnp.float32),
        jax.ShapeDtypeStruct((NW, L), jnp.float32),
    ],
    mesh=plsc.VectorSubcoreMesh(core_axis_name="c", subcore_axis_name="s"),
    compiler_params=pltpu.CompilerParams(needs_layout_passes=False),
    scratch_types=[
        pltpu.VMEM((BPW,), jnp.int32),
        pltpu.VMEM((BPW,), jnp.int32),
        pltpu.VMEM((BPW,), jnp.int32),
        pltpu.VMEM((C, D), jnp.float32),
        pltpu.VMEM((C, D), jnp.float32),
        pltpu.VMEM((C, D), jnp.float32),
        pltpu.VMEM((C, D), jnp.float32),
        pltpu.VMEM((C, D), jnp.float32),
        pltpu.VMEM((C, D), jnp.float32),
        pltpu.VMEM((BPW,), jnp.float32),
        pltpu.VMEM((L,), jnp.float32),
        pltpu.VMEM((L,), jnp.float32),
        pltpu.VMEM((L,), jnp.float32),
        pltpu.SemaphoreType.DMA,
        pltpu.SemaphoreType.DMA,
    ],
)(_sc_body)


def _finish_body(p_ref, o_ref):
    o_ref[0, 0] = jnp.sum(p_ref[...]) * (1.0 / (float(B) * float(B) * float(D)))


_finish = pl.pallas_call(
    _finish_body,
    out_shape=jax.ShapeDtypeStruct((1, 1), jnp.float32),
    out_specs=pl.BlockSpec(memory_space=pltpu.SMEM),
)


def kernel(x, entityEmbed, relationEmbed, lin_w, lin_b):
    x = x.astype(jnp.int32)
    w16 = jnp.full((L,), lin_w[0, 0], jnp.float32)
    b16 = jnp.full((L,), lin_b[0], jnp.float32)
    conf, part = _sc_call(x[:, 0], x[:, 1], x[:, 2],
                          entityEmbed, relationEmbed, w16, b16)
    r_score = _finish(part)[0, 0]
    return conf, r_score

# --- scband reference (transcript-rebuilt; emitter-appended) ---
"""Pipeline reference for scband-ukge-77446850281977 (READ-ONLY COPY).

The authoritative reference and input builder live on the scoring server;
editing this copy changes nothing except your own understanding.
"""

import jax, jax.numpy as jnp
import numpy as np

NUM_ENTS = 100000
NUM_RELS = 1000
DIM = 128
BATCH = 16384

def setup_inputs(seed: int = 0) -> dict:
    key = jax.random.key(seed)
    k1, k2, k3, k4, k5 = jax.random.split(key, 5)
    x = jax.random.randint(k1, (BATCH, 3), 0, NUM_RELS).astype(jnp.int64) if jax.config.jax_enable_x64 else jax.random.randint(k1, (BATCH, 3), 0, NUM_RELS)
    entityEmbed = jax.random.normal(k2, (NUM_ENTS, DIM), dtype=jnp.float32) * 0.02
    relationEmbed = jax.random.normal(k3, (NUM_RELS, DIM), dtype=jnp.float32) * 0.02
    lin_w = jax.random.normal(k4, (1, 1), dtype=jnp.float32)
    lin_b = jax.random.normal(k5, (1,), dtype=jnp.float32)
    return {"x": x, "entityEmbed": entityEmbed, "relationEmbed": relationEmbed, "lin_w": lin_w, "lin_b": lin_b}

def reference(x, entityEmbed, relationEmbed, lin_w, lin_b):
    # Embedding lookups (gather)
    h = jnp.take(entityEmbed, x[:, 0], axis=0)
    r = jnp.take(relationEmbed, x[:, 1], axis=0)
    t = jnp.take(entityEmbed, x[:, 2], axis=0)
    B = h.shape[0]
    # Regularization score: MSE-to-zero of embeddings, divided by batch size
    # (faithful interpretation of the buggy nn.MSELoss(h) / h.size(0) pattern)
    r_score = jnp.mean(h ** 2) / B + jnp.mean(t ** 2) / B + jnp.mean(r ** 2) / B
    # DistMult-style plausibility score
    p_score = jnp.sum(r * (h * t), axis=-1, keepdims=True)
    # Linear(1,1) then sigmoid (logi=True branch)
    lin = p_score @ lin_w.T + lin_b
    confidence = jax.nn.sigmoid(jnp.squeeze(lin, axis=-1))
    # regularize=True branch
    return (confidence, r_score)

if __name__ == "__main__":
    import jax
    _d = setup_inputs()
    print(jax.jit(kernel)(*tuple(_d.values())))

</pallas_src>

<mosaic_0001>
#map = affine_map<(d0, d1) -> (0)>
#map1 = affine_map<(d0, d1) -> (0, 0)>
module attributes {stable_mosaic.version = 14 : i64} {
  func.func @_sc_body(%arg0: i32, %arg1: i32, %arg2: memref<16384xi32, #tpu.memory_space<hbm>>, %arg3: memref<16384xi32, #tpu.memory_space<hbm>>, %arg4: memref<16384xi32, #tpu.memory_space<hbm>>, %arg5: memref<100000x128xf32, #tpu.memory_space<hbm>>, %arg6: memref<1000x128xf32, #tpu.memory_space<hbm>>, %arg7: memref<16xf32, #tpu.memory_space<hbm>>, %arg8: memref<16xf32, #tpu.memory_space<hbm>>, %arg9: memref<16384xf32, #tpu.memory_space<hbm>>, %arg10: memref<32x16xf32, #tpu.memory_space<hbm>>, %arg11: memref<512xi32, #tpu.memory_space<vmem>>, %arg12: memref<512xi32, #tpu.memory_space<vmem>>, %arg13: memref<512xi32, #tpu.memory_space<vmem>>, %arg14: memref<128x128xf32, #tpu.memory_space<vmem>>, %arg15: memref<128x128xf32, #tpu.memory_space<vmem>>, %arg16: memref<128x128xf32, #tpu.memory_space<vmem>>, %arg17: memref<128x128xf32, #tpu.memory_space<vmem>>, %arg18: memref<128x128xf32, #tpu.memory_space<vmem>>, %arg19: memref<128x128xf32, #tpu.memory_space<vmem>>, %arg20: memref<512xf32, #tpu.memory_space<vmem>>, %arg21: memref<16xf32, #tpu.memory_space<vmem>>, %arg22: memref<16xf32, #tpu.memory_space<vmem>>, %arg23: memref<16xf32, #tpu.memory_space<vmem>>, %arg24: memref<!tpu.dma_semaphore, #tpu.memory_space<semaphore_mem>>, %arg25: memref<!tpu.dma_semaphore, #tpu.memory_space<semaphore_mem>>) attributes {dimension_semantics = [#tpu.dimension_semantics<core_parallel>, #tpu.dimension_semantics<subcore_parallel>], iteration_bounds = array<i64: 2, 16>, scalar_prefetch = 0 : i64, scratch_operands = 15 : i64, tpu.core_type = #tpu.core_type<sc_vector_subcore>, window_params = [{transform_indices = #map}, {transform_indices = #map}, {transform_indices = #map}, {transform_indices = #map1}, {transform_indices = #map1}, {transform_indices = #map}, {transform_indices = #map}, {transform_indices = #map}, {transform_indices = #map1}]} {
    %mul3A = arith.constant 2 : i32
    %mul3A_0 = arith.muli %arg1, %mul3A : i32
    %add3A = arith.addi %mul3A_0, %arg0 : i32
    %mul3A_1 = arith.constant 512 : i32
    %mul3A_2 = arith.muli %add3A, %mul3A_1 : i32
    "tpu.region"() ({
      %run_scoped3A = tpu.sem_alloc : memref<!tpu.dma_semaphore, #tpu.memory_space<semaphore_mem>>
      %dma_start3A_152 = tpu.memref_slice %arg2[%mul3A_2] : memref<16384xi32, #tpu.memory_space<hbm>> -> memref<512xi32, #tpu.memory_space<hbm>>
      %dma_start3A_153 = tpu.memref_slice %arg2[%mul3A_2] : memref<16384xi32, #tpu.memory_space<hbm>> -> memref<512xi32, #tpu.memory_space<hbm>>
      tpu.enqueue_dma source(%dma_start3A_153 : memref<512xi32, #tpu.memory_space<hbm>>) target(%arg11 : memref<512xi32, #tpu.memory_space<vmem>>) target_semaphore(%run_scoped3A : memref<!tpu.dma_semaphore, #tpu.memory_space<semaphore_mem>>)
      %dma_wait3A_154 = tpu.memref_slice %arg2[%mul3A_2] : memref<16384xi32, #tpu.memory_space<hbm>> -> memref<512xi32, #tpu.memory_space<hbm>>
      %dma_wait3A_155 = tpu.memref_slice %arg2[%mul3A_2] : memref<16384xi32, #tpu.memory_space<hbm>> -> memref<512xi32, #tpu.memory_space<hbm>>
      tpu.wait_dma2 semaphore(%run_scoped3A : memref<!tpu.dma_semaphore, #tpu.memory_space<semaphore_mem>>) src(%dma_wait3A_155 : memref<512xi32, #tpu.memory_space<hbm>>) dst(%arg11 : memref<512xi32, #tpu.memory_space<vmem>>)
      tpu.yield
    }) : () -> ()
    "tpu.region"() ({
      %run_scoped3A = tpu.sem_alloc : memref<!tpu.dma_semaphore, #tpu.memory_space<semaphore_mem>>
      %dma_start3A_152 = tpu.memref_slice %arg3[%mul3A_2] : memref<16384xi32, #tpu.memory_space<hbm>> -> memref<512xi32, #tpu.memory_space<hbm>>
      %dma_start3A_153 = tpu.memref_slice %arg3[%mul3A_2] : memref<16384xi32, #tpu.memory_space<hbm>> -> memref<512xi32, #tpu.memory_space<hbm>>
      tpu.enqueue_dma source(%dma_start3A_153 : memref<512xi32, #tpu.memory_space<hbm>>) target(%arg12 : memref<512xi32, #tpu.memory_space<vmem>>) target_semaphore(%run_scoped3A : memref<!tpu.dma_semaphore, #tpu.memory_space<semaphore_mem>>)
      %dma_wait3A_154 = tpu.memref_slice %arg3[%mul3A_2] : memref<16384xi32, #tpu.memory_space<hbm>> -> memref<512xi32, #tpu.memory_space<hbm>>
      %dma_wait3A_155 = tpu.memref_slice %arg3[%mul3A_2] : memref<16384xi32, #tpu.memory_space<hbm>> -> memref<512xi32, #tpu.memory_space<hbm>>
      tpu.wait_dma2 semaphore(%run_scoped3A : memref<!tpu.dma_semaphore, #tpu.memory_space<semaphore_mem>>) src(%dma_wait3A_155 : memref<512xi32, #tpu.memory_space<hbm>>) dst(%arg12 : memref<512xi32, #tpu.memory_space<vmem>>)
      tpu.yield
    }) : () -> ()
    "tpu.region"() ({
      %run_scoped3A = tpu.sem_alloc : memref<!tpu.dma_semaphore, #tpu.memory_space<semaphore_mem>>
      %dma_start3A_152 = tpu.memref_slice %arg4[%mul3A_2] : memref<16384xi32, #tpu.memory_space<hbm>> -> memref<512xi32, #tpu.memory_space<hbm>>
      %dma_start3A_153 = tpu.memref_slice %arg4[%mul3A_2] : memref<16384xi32, #tpu.memory_space<hbm>> -> memref<512xi32, #tpu.memory_space<hbm>>
      tpu.enqueue_dma source(%dma_start3A_153 : memref<512xi32, #tpu.memory_space<hbm>>) target(%arg13 : memref<512xi32, #tpu.memory_space<vmem>>) target_semaphore(%run_scoped3A : memref<!tpu.dma_semaphore, #tpu.memory_space<semaphore_mem>>)
      %dma_wait3A_154 = tpu.memref_slice %arg4[%mul3A_2] : memref<16384xi32, #tpu.memory_space<hbm>> -> memref<512xi32, #tpu.memory_space<hbm>>
      %dma_wait3A_155 = tpu.memref_slice %arg4[%mul3A_2] : memref<16384xi32, #tpu.memory_space<hbm>> -> memref<512xi32, #tpu.memory_space<hbm>>
      tpu.wait_dma2 semaphore(%run_scoped3A : memref<!tpu.dma_semaphore, #tpu.memory_space<semaphore_mem>>) src(%dma_wait3A_155 : memref<512xi32, #tpu.memory_space<hbm>>) dst(%arg13 : memref<512xi32, #tpu.memory_space<vmem>>)
      tpu.yield
    }) : () -> ()
    "tpu.region"() ({
      %run_scoped3A = tpu.sem_alloc : memref<!tpu.dma_semaphore, #tpu.memory_space<semaphore_mem>>
      tpu.enqueue_dma source(%arg7 : memref<16xf32, #tpu.memory_space<hbm>>) target(%arg21 : memref<16xf32, #tpu.memory_space<vmem>>) target_semaphore(%run_scoped3A : memref<!tpu.dma_semaphore, #tpu.memory_space<semaphore_mem>>)
      tpu.wait_dma2 semaphore(%run_scoped3A : memref<!tpu.dma_semaphore, #tpu.memory_space<semaphore_mem>>) src(%arg7 : memref<16xf32, #tpu.memory_space<hbm>>) dst(%arg21 : memref<16xf32, #tpu.memory_space<vmem>>)
      tpu.yield
    }) : () -> ()
    "tpu.region"() ({
      %run_scoped3A = tpu.sem_alloc : memref<!tpu.dma_semaphore, #tpu.memory_space<semaphore_mem>>
      tpu.enqueue_dma source(%arg8 : memref<16xf32, #tpu.memory_space<hbm>>) target(%arg22 : memref<16xf32, #tpu.memory_space<vmem>>) target_semaphore(%run_scoped3A : memref<!tpu.dma_semaphore, #tpu.memory_space<semaphore_mem>>)
      tpu.wait_dma2 semaphore(%run_scoped3A : memref<!tpu.dma_semaphore, #tpu.memory_space<semaphore_mem>>) src(%arg8 : memref<16xf32, #tpu.memory_space<hbm>>) dst(%arg22 : memref<16xf32, #tpu.memory_space<vmem>>)
      tpu.yield
    }) : () -> ()
    %iota3A = tpu.iota {dimensions = array<i32: 0>} : vector<16xi32>
    %broadcast_in_dim3A = arith.constant 0.000000e+00 : f32
    %broadcast_in_dim3A_3 = vector.broadcast %broadcast_in_dim3A : f32 to vector<16xf32>
    %get3A = arith.constant 0 : index
    %get3A_4 = tpu.vector_load %arg21[%get3A] {strides = array<i32>} : memref<16xf32, #tpu.memory_space<vmem>>, vector<16xf32>,
    %get3A_5 = arith.constant 0 : index
    %get3A_6 = tpu.vector_load %arg22[%get3A_5] {strides = array<i32>} : memref<16xf32, #tpu.memory_space<vmem>>, vector<16xf32>,
    %dma_start3A = arith.constant 0 : i32
    %dma_start3A_7 = tpu.memref_slice %arg11[%dma_start3A] : memref<512xi32, #tpu.memory_space<vmem>> -> memref<128xi32, #tpu.memory_space<vmem>>
    %dma_start3A_8 = arith.constant 0 : i32
    %dma_start3A_9 = arith.constant 0 : i32
    %dma_start3A_10 = tpu.memref_slice %arg5[%dma_start3A_8, %dma_start3A_9] : memref<100000x128xf32, #tpu.memory_space<hbm>> -> memref<100000x128xf32, #tpu.memory_space<hbm>>
    tpu.enqueue_indirect_dma source(%dma_start3A_10 : memref<100000x128xf32, #tpu.memory_space<hbm>>) target(%arg14 : memref<128x128xf32, #tpu.memory_space<vmem>>) offsets(%dma_start3A_7 : memref<128xi32, #tpu.memory_space<vmem>>) semaphore(%arg24 : memref<!tpu.dma_semaphore, #tpu.memory_space<semaphore_mem>>)
    %dma_start3A_11 = arith.constant 0 : i32
    %dma_start3A_12 = tpu.memref_slice %arg12[%dma_start3A_11] : memref<512xi32, #tpu.memory_space<vmem>> -> memref<128xi32, #tpu.memory_space<vmem>>
    %dma_start3A_13 = arith.constant 0 : i32
    %dma_start3A_14 = arith.constant 0 : i32
    %dma_start3A_15 = tpu.memref_slice %arg6[%dma_start3A_13, %dma_start3A_14] : memref<1000x128xf32, #tpu.memory_space<hbm>> -> memref<1000x128xf32, #tpu.memory_space<hbm>>
    tpu.enqueue_indirect_dma source(%dma_start3A_15 : memref<1000x128xf32, #tpu.memory_space<hbm>>) target(%arg15 : memref<128x128xf32, #tpu.memory_space<vmem>>) offsets(%dma_start3A_12 : memref<128xi32, #tpu.memory_space<vmem>>) semaphore(%arg24 : memref<!tpu.dma_semaphore, #tpu.memory_space<semaphore_mem>>)
    %dma_start3A_16 = arith.constant 0 : i32
    %dma_start3A_17 = tpu.memref_slice %arg13[%dma_start3A_16] : memref<512xi32, #tpu.memory_space<vmem>> -> memref<128xi32, #tpu.memory_space<vmem>>
    %dma_start3A_18 = arith.constant 0 : i32
    %dma_start3A_19 = arith.constant 0 : i32
    %dma_start3A_20 = tpu.memref_slice %arg5[%dma_start3A_18, %dma_start3A_19] : memref<100000x128xf32, #tpu.memory_space<hbm>> -> memref<100000x128xf32, #tpu.memory_space<hbm>>
    tpu.enqueue_indirect_dma source(%dma_start3A_20 : memref<100000x128xf32, #tpu.memory_space<hbm>>) target(%arg16 : memref<128x128xf32, #tpu.memory_space<vmem>>) offsets(%dma_start3A_17 : memref<128xi32, #tpu.memory_space<vmem>>) semaphore(%arg24 : memref<!tpu.dma_semaphore, #tpu.memory_space<semaphore_mem>>)
    %dma_wait3A = arith.constant 0 : i32
    %dma_wait3A_21 = tpu.memref_slice %arg11[%dma_wait3A] : memref<512xi32, #tpu.memory_space<vmem>> -> memref<128xi32, #tpu.memory_space<vmem>>
    %dma_wait3A_22 = arith.constant 0 : i32
    %dma_wait3A_23 = arith.constant 0 : i32
    %dma_wait3A_24 = tpu.memref_slice %arg5[%dma_wait3A_22, %dma_wait3A_23] : memref<100000x128xf32, #tpu.memory_space<hbm>> -> memref<100000x128xf32, #tpu.memory_space<hbm>>
    tpu.wait_indirect_dma semaphore(%arg24 : memref<!tpu.dma_semaphore, #tpu.memory_space<semaphore_mem>>) src(%dma_wait3A_24 : memref<100000x128xf32, #tpu.memory_space<hbm>>) dst(%arg14 : memref<128x128xf32, #tpu.memory_space<vmem>>)
    %dma_wait3A_25 = arith.constant 0 : i32
    %dma_wait3A_26 = tpu.memref_slice %arg12[%dma_wait3A_25] : memref<512xi32, #tpu.memory_space<vmem>> -> memref<128xi32, #tpu.memory_space<vmem>>
    %dma_wait3A_27 = arith.constant 0 : i32
    %dma_wait3A_28 = arith.constant 0 : i32
    %dma_wait3A_29 = tpu.memref_slice %arg6[%dma_wait3A_27, %dma_wait3A_28] : memref<1000x128xf32, #tpu.memory_space<hbm>> -> memref<1000x128xf32, #tpu.memory_space<hbm>>
    tpu.wait_indirect_dma semaphore(%arg24 : memref<!tpu.dma_semaphore, #tpu.memory_space<semaphore_mem>>) src(%dma_wait3A_29 : memref<1000x128xf32, #tpu.memory_space<hbm>>) dst(%arg15 : memref<128x128xf32, #tpu.memory_space<vmem>>)
    %dma_wait3A_30 = arith.constant 0 : i32
    %dma_wait3A_31 = tpu.memref_slice %arg13[%dma_wait3A_30] : memref<512xi32, #tpu.memory_space<vmem>> -> memref<128xi32, #tpu.memory_space<vmem>>
    %dma_wait3A_32 = arith.constant 0 : i32
    %dma_wait3A_33 = arith.constant 0 : i32
    %dma_wait3A_34 = tpu.memref_slice %arg5[%dma_wait3A_32, %dma_wait3A_33] : memref<100000x128xf32, #tpu.memory_space<hbm>> -> memref<100000x128xf32, #tpu.memory_space<hbm>>
    tpu.wait_indirect_dma semaphore(%arg24 : memref<!tpu.dma_semaphore, #tpu.memory_space<semaphore_mem>>) src(%dma_wait3A_34 : memref<100000x128xf32, #tpu.memory_space<hbm>>) dst(%arg16 : memref<128x128xf32, #tpu.memory_space<vmem>>)
    %dma_start3A_35 = arith.constant 128 : i32
    %dma_start3A_36 = tpu.memref_slice %arg11[%dma_start3A_35] : memref<512xi32, #tpu.memory_space<vmem>> -> memref<128xi32, #tpu.memory_space<vmem>>
    %dma_start3A_37 = arith.constant 0 : i32
    %dma_start3A_38 = arith.constant 0 : i32
    %dma_start3A_39 = tpu.memref_slice %arg5[%dma_start3A_37, %dma_start3A_38] : memref<100000x128xf32, #tpu.memory_space<hbm>> -> memref<100000x128xf32, #tpu.memory_space<hbm>>
    tpu.enqueue_indirect_dma source(%dma_start3A_39 : memref<100000x128xf32, #tpu.memory_space<hbm>>) target(%arg17 : memref<128x128xf32, #tpu.memory_space<vmem>>) offsets(%dma_start3A_36 : memref<128xi32, #tpu.memory_space<vmem>>) semaphore(%arg25 : memref<!tpu.dma_semaphore, #tpu.memory_space<semaphore_mem>>)
    %dma_start3A_40 = arith.constant 128 : i32
    %dma_start3A_41 = tpu.memref_slice %arg12[%dma_start3A_40] : memref<512xi32, #tpu.memory_space<vmem>> -> memref<128xi32, #tpu.memory_space<vmem>>
    %dma_start3A_42 = arith.constant 0 : i32
    %dma_start3A_43 = arith.constant 0 : i32
    %dma_start3A_44 = tpu.memref_slice %arg6[%dma_start3A_42, %dma_start3A_43] : memref<1000x128xf32, #tpu.memory_space<hbm>> -> memref<1000x128xf32, #tpu.memory_space<hbm>>
    tpu.enqueue_indirect_dma source(%dma_start3A_44 : memref<1000x128xf32, #tpu.memory_space<hbm>>) target(%arg18 : memref<128x128xf32, #tpu.memory_space<vmem>>) offsets(%dma_start3A_41 : memref<128xi32, #tpu.memory_space<vmem>>) semaphore(%arg25 : memref<!tpu.dma_semaphore, #tpu.memory_space<semaphore_mem>>)
    %dma_start3A_45 = arith.constant 128 : i32
    %dma_start3A_46 = tpu.memref_slice %arg13[%dma_start3A_45] : memref<512xi32, #tpu.memory_space<vmem>> -> memref<128xi32, #tpu.memory_space<vmem>>
    %dma_start3A_47 = arith.constant 0 : i32
    %dma_start3A_48 = arith.constant 0 : i32
    %dma_start3A_49 = tpu.memref_slice %arg5[%dma_start3A_47, %dma_start3A_48] : memref<100000x128xf32, #tpu.memory_space<hbm>> -> memref<100000x128xf32, #tpu.memory_space<hbm>>
    tpu.enqueue_indirect_dma source(%dma_start3A_49 : memref<100000x128xf32, #tpu.memory_space<hbm>>) target(%arg19 : memref<128x128xf32, #tpu.memory_space<vmem>>) offsets(%dma_start3A_46 : memref<128xi32, #tpu.memory_space<vmem>>) semaphore(%arg25 : memref<!tpu.dma_semaphore, #tpu.memory_space<semaphore_mem>>)
    %scan3A = arith.constant 0 : i32
    %scan3A_50 = arith.constant 8 : i32
    %scan3A_51 = arith.addi %scan3A, %scan3A_50 : i32
    %scan3A_52 = arith.constant 1 : i32
    %scan3A_53:4 = scf.for %scan3A_152 = %scan3A to %scan3A_51 step %scan3A_52 iter_args(%scan3A_153 = %broadcast_in_dim3A_3, %scan3A_154 = %broadcast_in_dim3A_3, %scan3A_155 = %broadcast_in_dim3A_3, %scan3A_156 = %broadcast_in_dim3A_3) -> (vector<16xf32>, vector<16xf32>, vector<16xf32>, vector<16xf32>)  : i32 {
      %parallel_loop3A = arith.constant 0 : i32
      %parallel_loop3A_157 = arith.constant 16 : i32
      %parallel_loop3A_158 = arith.constant 1 : i32
      %parallel_loop3A_159:5 = scf.for %parallel_loop3A_175 = %parallel_loop3A to %parallel_loop3A_157 step %parallel_loop3A_158 iter_args(%parallel_loop3A_176 = %scan3A_153, %parallel_loop3A_177 = %scan3A_154, %parallel_loop3A_178 = %scan3A_155, %parallel_loop3A_179 = %scan3A_156, %parallel_loop3A_180 = %broadcast_in_dim3A_3) -> (vector<16xf32>, vector<16xf32>, vector<16xf32>, vector<16xf32>, vector<16xf32>)  : i32 {
        %parallel_loop3A_181 = arith.constant 16 : i32
        %parallel_loop3A_182 = arith.muli %scan3A_152, %parallel_loop3A_181 : i32
        %parallel_loop3A_183 = arith.addi %parallel_loop3A_182, %parallel_loop3A_175 : i32
        %parallel_loop3A_184 = arith.index_cast %parallel_loop3A_183 : i32 to index
        %parallel_loop3A_185 = arith.constant 0 : index
        %parallel_loop3A_186 = tpu.vector_load %arg14[%parallel_loop3A_184, %parallel_loop3A_185] {strides = array<i32>} : memref<128x128xf32, #tpu.memory_space<vmem>>, vector<16xf32>,
        %parallel_loop3A_187 = arith.index_cast %parallel_loop3A_183 : i32 to index
        %parallel_loop3A_188 = arith.constant 16 : index
        %parallel_loop3A_189 = tpu.vector_load %arg14[%parallel_loop3A_187, %parallel_loop3A_188] {strides = array<i32>} : memref<128x128xf32, #tpu.memory_space<vmem>>, vector<16xf32>,
        %parallel_loop3A_190 = arith.index_cast %parallel_loop3A_183 : i32 to index
        %parallel_loop3A_191 = arith.constant 32 : index
        %parallel_loop3A_192 = tpu.vector_load %arg14[%parallel_loop3A_190, %parallel_loop3A_191] {strides = array<i32>} : memref<128x128xf32, #tpu.memory_space<vmem>>, vector<16xf32>,
        %parallel_loop3A_193 = arith.index_cast %parallel_loop3A_183 : i32 to index
        %parallel_loop3A_194 = arith.constant 48 : index
        %parallel_loop3A_195 = tpu.vector_load %arg14[%parallel_loop3A_193, %parallel_loop3A_194] {strides = array<i32>} : memref<128x128xf32, #tpu.memory_space<vmem>>, vector<16xf32>,
        %parallel_loop3A_196 = arith.index_cast %parallel_loop3A_183 : i32 to index
        %parallel_loop3A_197 = arith.constant 64 : index
        %parallel_loop3A_198 = tpu.vector_load %arg14[%parallel_loop3A_196, %parallel_loop3A_197] {strides = array<i32>} : memref<128x128xf32, #tpu.memory_space<vmem>>, vector<16xf32>,
        %parallel_loop3A_199 = arith.index_cast %parallel_loop3A_183 : i32 to index
        %parallel_loop3A_200 = arith.constant 80 : index
        %parallel_loop3A_201 = tpu.vector_load %arg14[%parallel_loop3A_199, %parallel_loop3A_200] {strides = array<i32>} : memref<128x128xf32, #tpu.memory_space<vmem>>, vector<16xf32>,
        %parallel_loop3A_202 = arith.index_cast %parallel_loop3A_183 : i32 to index
        %parallel_loop3A_203 = arith.constant 96 : index
        %parallel_loop3A_204 = tpu.vector_load %arg14[%parallel_loop3A_202, %parallel_loop3A_203] {strides = array<i32>} : memref<128x128xf32, #tpu.memory_space<vmem>>, vector<16xf32>,
        %parallel_loop3A_205 = arith.index_cast %parallel_loop3A_183 : i32 to index
        %parallel_loop3A_206 = arith.constant 112 : index
        %parallel_loop3A_207 = tpu.vector_load %arg14[%parallel_loop3A_205, %parallel_loop3A_206] {strides = array<i32>} : memref<128x128xf32, #tpu.memory_space<vmem>>, vector<16xf32>,
        %parallel_loop3A_208 = arith.index_cast %parallel_loop3A_183 : i32 to index
        %parallel_loop3A_209 = arith.constant 0 : index
        %parallel_loop3A_210 = tpu.vector_load %arg16[%parallel_loop3A_208, %parallel_loop3A_209] {strides = array<i32>} : memref<128x128xf32, #tpu.memory_space<vmem>>, vector<16xf32>,
        %parallel_loop3A_211 = arith.index_cast %parallel_loop3A_183 : i32 to index
        %parallel_loop3A_212 = arith.constant 16 : index
        %parallel_loop3A_213 = tpu.vector_load %arg16[%parallel_loop3A_211, %parallel_loop3A_212] {strides = array<i32>} : memref<128x128xf32, #tpu.memory_space<vmem>>, vector<16xf32>,
        %parallel_loop3A_214 = arith.index_cast %parallel_loop3A_183 : i32 to index
        %parallel_loop3A_215 = arith.constant 32 : index
        %parallel_loop3A_216 = tpu.vector_load %arg16[%parallel_loop3A_214, %parallel_loop3A_215] {strides = array<i32>} : memref<128x128xf32, #tpu.memory_space<vmem>>, vector<16xf32>,
        %parallel_loop3A_217 = arith.index_cast %parallel_loop3A_183 : i32 to index
        %parallel_loop3A_218 = arith.constant 48 : index
        %parallel_loop3A_219 = tpu.vector_load %arg16[%parallel_loop3A_217, %parallel_loop3A_218] {strides = array<i32>} : memref<128x128xf32, #tpu.memory_space<vmem>>, vector<16xf32>,
        %parallel_loop3A_220 = arith.index_cast %parallel_loop3A_183 : i32 to index
        %parallel_loop3A_221 = arith.constant 64 : index
        %parallel_loop3A_222 = tpu.vector_load %arg16[%parallel_loop3A_220, %parallel_loop3A_221] {strides = array<i32>} : memref<128x128xf32, #tpu.memory_space<vmem>>, vector<16xf32>,
        %parallel_loop3A_223 = arith.index_cast %parallel_loop3A_183 : i32 to index
        %parallel_loop3A_224 = arith.constant 80 : index
        %parallel_loop3A_225 = tpu.vector_load %arg16[%parallel_loop3A_223, %parallel_loop3A_224] {strides = array<i32>} : memref<128x128xf32, #tpu.memory_space<vmem>>, vector<16xf32>,
        %parallel_loop3A_226 = arith.index_cast %parallel_loop3A_183 : i32 to index
        %parallel_loop3A_227 = arith.constant 96 : index
        %parallel_loop3A_228 = tpu.vector_load %arg16[%parallel_loop3A_226, %parallel_loop3A_227] {strides = array<i32>} : memref<128x128xf32, #tpu.memory_space<vmem>>, vector<16xf32>,
        %parallel_loop3A_229 = arith.index_cast %parallel_loop3A_183 : i32 to index
        %parallel_loop3A_230 = arith.constant 112 : index
        %parallel_loop3A_231 = tpu.vector_load %arg16[%parallel_loop3A_229, %parallel_loop3A_230] {strides = array<i32>} : memref<128x128xf32, #tpu.memory_space<vmem>>, vector<16xf32>,
        %parallel_loop3A_232 = arith.index_cast %parallel_loop3A_183 : i32 to index
        %parallel_loop3A_233 = arith.constant 0 : index
        %parallel_loop3A_234 = tpu.vector_load %arg15[%parallel_loop3A_232, %parallel_loop3A_233] {strides = array<i32>} : memref<128x128xf32, #tpu.memory_space<vmem>>, vector<16xf32>,
        %parallel_loop3A_235 = arith.index_cast %parallel_loop3A_183 : i32 to index
        %parallel_loop3A_236 = arith.constant 16 : index
        %parallel_loop3A_237 = tpu.vector_load %arg15[%parallel_loop3A_235, %parallel_loop3A_236] {strides = array<i32>} : memref<128x128xf32, #tpu.memory_space<vmem>>, vector<16xf32>,
        %parallel_loop3A_238 = arith.index_cast %parallel_loop3A_183 : i32 to index
        %parallel_loop3A_239 = arith.constant 32 : index
        %parallel_loop3A_240 = tpu.vector_load %arg15[%parallel_loop3A_238, %parallel_loop3A_239] {strides = array<i32>} : memref<128x128xf32, #tpu.memory_space<vmem>>, vector<16xf32>,
        %parallel_loop3A_241 = arith.index_cast %parallel_loop3A_183 : i32 to index
        %parallel_loop3A_242 = arith.constant 48 : index
        %parallel_loop3A_243 = tpu.vector_load %arg15[%parallel_loop3A_241, %parallel_loop3A_242] {strides = array<i32>} : memref<128x128xf32, #tpu.memory_space<vmem>>, vector<16xf32>,
        %parallel_loop3A_244 = arith.index_cast %parallel_loop3A_183 : i32 to index
        %parallel_loop3A_245 = arith.constant 64 : index
        %parallel_loop3A_246 = tpu.vector_load %arg15[%parallel_loop3A_244, %parallel_loop3A_245] {strides = array<i32>} : memref<128x128xf32, #tpu.memory_space<vmem>>, vector<16xf32>,
        %parallel_loop3A_247 = arith.index_cast %parallel_loop3A_183 : i32 to index
        %parallel_loop3A_248 = arith.constant 80 : index
        %parallel_loop3A_249 = tpu.vector_load %arg15[%parallel_loop3A_247, %parallel_loop3A_248] {strides = array<i32>} : memref<128x128xf32, #tpu.memory_space<vmem>>, vector<16xf32>,
        %parallel_loop3A_250 = arith.index_cast %parallel_loop3A_183 : i32 to index
        %parallel_loop3A_251 = arith.constant 96 : index
        %parallel_loop3A_252 = tpu.vector_load %arg15[%parallel_loop3A_250, %parallel_loop3A_251] {strides = array<i32>} : memref<128x128xf32, #tpu.memory_space<vmem>>, vector<16xf32>,
        %parallel_loop3A_253 = arith.index_cast %parallel_loop3A_183 : i32 to index
        %parallel_loop3A_254 = arith.constant 112 : index
        %parallel_loop3A_255 = tpu.vector_load %arg15[%parallel_loop3A_253, %parallel_loop3A_254] {strides = array<i32>} : memref<128x128xf32, #tpu.memory_space<vmem>>, vector<16xf32>,
        %parallel_loop3A_256 = arith.mulf %parallel_loop3A_186, %parallel_loop3A_210 : vector<16xf32>
        %parallel_loop3A_257 = arith.mulf %parallel_loop3A_256, %parallel_loop3A_234 : vector<16xf32>
        %parallel_loop3A_258 = arith.mulf %parallel_loop3A_189, %parallel_loop3A_213 : vector<16xf32>
        %parallel_loop3A_259 = arith.mulf %parallel_loop3A_258, %parallel_loop3A_237 : vector<16xf32>
        %parallel_loop3A_260 = arith.mulf %parallel_loop3A_192, %parallel_loop3A_216 : vector<16xf32>
        %parallel_loop3A_261 = arith.mulf %parallel_loop3A_260, %parallel_loop3A_240 : vector<16xf32>
        %parallel_loop3A_262 = arith.mulf %parallel_loop3A_195, %parallel_loop3A_219 : vector<16xf32>
        %parallel_loop3A_263 = arith.mulf %parallel_loop3A_262, %parallel_loop3A_243 : vector<16xf32>
        %parallel_loop3A_264 = arith.mulf %parallel_loop3A_198, %parallel_loop3A_222 : vector<16xf32>
        %parallel_loop3A_265 = arith.mulf %parallel_loop3A_264, %parallel_loop3A_246 : vector<16xf32>
        %parallel_loop3A_266 = arith.mulf %parallel_loop3A_201, %parallel_loop3A_225 : vector<16xf32>
        %parallel_loop3A_267 = arith.mulf %parallel_loop3A_266, %parallel_loop3A_249 : vector<16xf32>
        %parallel_loop3A_268 = arith.mulf %parallel_loop3A_204, %parallel_loop3A_228 : vector<16xf32>
        %parallel_loop3A_269 = arith.mulf %parallel_loop3A_268, %parallel_loop3A_252 : vector<16xf32>
        %parallel_loop3A_270 = arith.mulf %parallel_loop3A_207, %parallel_loop3A_231 : vector<16xf32>
        %parallel_loop3A_271 = arith.mulf %parallel_loop3A_270, %parallel_loop3A_255 : vector<16xf32>
        %parallel_loop3A_272 = arith.addf %parallel_loop3A_257, %parallel_loop3A_259 : vector<16xf32>
        %parallel_loop3A_273 = arith.addf %parallel_loop3A_261, %parallel_loop3A_263 : vector<16xf32>
        %parallel_loop3A_274 = arith.addf %parallel_loop3A_272, %parallel_loop3A_273 : vector<16xf32>
        %parallel_loop3A_275 = arith.addf %parallel_loop3A_265, %parallel_loop3A_267 : vector<16xf32>
        %parallel_loop3A_276 = arith.addf %parallel_loop3A_269, %parallel_loop3A_271 : vector<16xf32>
        %parallel_loop3A_277 = arith.addf %parallel_loop3A_275, %parallel_loop3A_276 : vector<16xf32>
        %parallel_loop3A_278 = arith.addf %parallel_loop3A_274, %parallel_loop3A_277 : vector<16xf32>
        %parallel_loop3A_279 = arith.constant true
        %parallel_loop3A_280 = vector.broadcast %parallel_loop3A_279 : i1 to vector<16xi1>
        %parallel_loop3A_281 = tpu.scan <sum>, %parallel_loop3A_278 masked %parallel_loop3A_280 : vector<16xf32>, vector<16xi1> -> vector<16xf32>
        %parallel_loop3A_282 = vector.extract %parallel_loop3A_281[15] : f32 from vector<16xf32>
        %parallel_loop3A_283 = vector.broadcast %parallel_loop3A_175 : i32 to vector<16xi32>
        %parallel_loop3A_284 = arith.cmpi eq, %iota3A, %parallel_loop3A_283 : vector<16xi32>
        %parallel_loop3A_285 = vector.broadcast %parallel_loop3A_282 : f32 to vector<16xf32>
        %parallel_loop3A_286 = arith.select %parallel_loop3A_284, %parallel_loop3A_285, %parallel_loop3A_180 : vector<16xi1>, vector<16xf32>
        %parallel_loop3A_287 = arith.mulf %parallel_loop3A_186, %parallel_loop3A_186 : vector<16xf32>
        %parallel_loop3A_288 = arith.addf %parallel_loop3A_176, %parallel_loop3A_287 : vector<16xf32>
        %parallel_loop3A_289 = arith.mulf %parallel_loop3A_189, %parallel_loop3A_189 : vector<16xf32>
        %parallel_loop3A_290 = arith.addf %parallel_loop3A_177, %parallel_loop3A_289 : vector<16xf32>
        %parallel_loop3A_291 = arith.mulf %parallel_loop3A_192, %parallel_loop3A_192 : vector<16xf32>
        %parallel_loop3A_292 = arith.addf %parallel_loop3A_178, %parallel_loop3A_291 : vector<16xf32>
        %parallel_loop3A_293 = arith.mulf %parallel_loop3A_195, %parallel_loop3A_195 : vector<16xf32>
        %parallel_loop3A_294 = arith.addf %parallel_loop3A_179, %parallel_loop3A_293 : vector<16xf32>
        %parallel_loop3A_295 = arith.mulf %parallel_loop3A_198, %parallel_loop3A_198 : vector<16xf32>
        %parallel_loop3A_296 = arith.addf %parallel_loop3A_288, %parallel_loop3A_295 : vector<16xf32>
        %parallel_loop3A_297 = arith.mulf %parallel_loop3A_201, %parallel_loop3A_201 : vector<16xf32>
        %parallel_loop3A_298 = arith.addf %parallel_loop3A_290, %parallel_loop3A_297 : vector<16xf32>
        %parallel_loop3A_299 = arith.mulf %parallel_loop3A_204, %parallel_loop3A_204 : vector<16xf32>
        %parallel_loop3A_300 = arith.addf %parallel_loop3A_292, %parallel_loop3A_299 : vector<16xf32>
        %parallel_loop3A_301 = arith.mulf %parallel_loop3A_207, %parallel_loop3A_207 : vector<16xf32>
        %parallel_loop3A_302 = arith.addf %parallel_loop3A_294, %parallel_loop3A_301 : vector<16xf32>
        %parallel_loop3A_303 = arith.mulf %parallel_loop3A_210, %parallel_loop3A_210 : vector<16xf32>
        %parallel_loop3A_304 = arith.addf %parallel_loop3A_296, %parallel_loop3A_303 : vector<16xf32>
        %parallel_loop3A_305 = arith.mulf %parallel_loop3A_213, %parallel_loop3A_213 : vector<16xf32>
        %parallel_loop3A_306 = arith.addf %parallel_loop3A_298, %parallel_loop3A_305 : vector<16xf32>
        %parallel_loop3A_307 = arith.mulf %parallel_loop3A_216, %parallel_loop3A_216 : vector<16xf32>
        %parallel_loop3A_308 = arith.addf %parallel_loop3A_300, %parallel_loop3A_307 : vector<16xf32>
        %parallel_loop3A_309 = arith.mulf %parallel_loop3A_219, %parallel_loop3A_219 : vector<16xf32>
        %parallel_loop3A_310 = arith.addf %parallel_loop3A_302, %parallel_loop3A_309 : vector<16xf32>
        %parallel_loop3A_311 = arith.mulf %parallel_loop3A_222, %parallel_loop3A_222 : vector<16xf32>
        %parallel_loop3A_312 = arith.addf %parallel_loop3A_304, %parallel_loop3A_311 : vector<16xf32>
        %parallel_loop3A_313 = arith.mulf %parallel_loop3A_225, %parallel_loop3A_225 : vector<16xf32>
        %parallel_loop3A_314 = arith.addf %parallel_loop3A_306, %parallel_loop3A_313 : vector<16xf32>
        %parallel_loop3A_315 = arith.mulf %parallel_loop3A_228, %parallel_loop3A_228 : vector<16xf32>
        %parallel_loop3A_316 = arith.addf %parallel_loop3A_308, %parallel_loop3A_315 : vector<16xf32>
        %parallel_loop3A_317 = arith.mulf %parallel_loop3A_231, %parallel_loop3A_231 : vector<16xf32>
        %parallel_loop3A_318 = arith.addf %parallel_loop3A_310, %parallel_loop3A_317 : vector<16xf32>
        %parallel_loop3A_319 = arith.mulf %parallel_loop3A_234, %parallel_loop3A_234 : vector<16xf32>
        %parallel_loop3A_320 = arith.addf %parallel_loop3A_312, %parallel_loop3A_319 : vector<16xf32>
        %parallel_loop3A_321 = arith.mulf %parallel_loop3A_237, %parallel_loop3A_237 : vector<16xf32>
        %parallel_loop3A_322 = arith.addf %parallel_loop3A_314, %parallel_loop3A_321 : vector<16xf32>
        %parallel_loop3A_323 = arith.mulf %parallel_loop3A_240, %parallel_loop3A_240 : vector<16xf32>
        %parallel_loop3A_324 = arith.addf %parallel_loop3A_316, %parallel_loop3A_323 : vector<16xf32>
        %parallel_loop3A_325 = arith.mulf %parallel_loop3A_243, %parallel_loop3A_243 : vector<16xf32>
        %parallel_loop3A_326 = arith.addf %parallel_loop3A_318, %parallel_loop3A_325 : vector<16xf32>
        %parallel_loop3A_327 = arith.mulf %parallel_loop3A_246, %parallel_loop3A_246 : vector<16xf32>
        %parallel_loop3A_328 = arith.addf %parallel_loop3A_320, %parallel_loop3A_327 : vector<16xf32>
        %parallel_loop3A_329 = arith.mulf %parallel_loop3A_249, %parallel_loop3A_249 : vector<16xf32>
        %parallel_loop3A_330 = arith.addf %parallel_loop3A_322, %parallel_loop3A_329 : vector<16xf32>
        %parallel_loop3A_331 = arith.mulf %parallel_loop3A_252, %parallel_loop3A_252 : vector<16xf32>
        %parallel_loop3A_332 = arith.addf %parallel_loop3A_324, %parallel_loop3A_331 : vector<16xf32>
        %parallel_loop3A_333 = arith.mulf %parallel_loop3A_255, %parallel_loop3A_255 : vector<16xf32>
        %parallel_loop3A_334 = arith.addf %parallel_loop3A_326, %parallel_loop3A_333 : vector<16xf32>
        scf.yield %parallel_loop3A_328, %parallel_loop3A_330, %parallel_loop3A_332, %parallel_loop3A_334, %parallel_loop3A_286 : vector<16xf32>, vector<16xf32>, vector<16xf32>, vector<16xf32>, vector<16xf32>
      } {sc.loop_unroll_factor = 2 : i64, sc.parallel_access}
      %mul3A_160 = arith.mulf %parallel_loop3A_159#4, %get3A_4 : vector<16xf32>
      %add3A_161 = arith.addf %mul3A_160, %get3A_6 : vector<16xf32>
      %neg3A = arith.constant 0.000000e+00 : f32
      %neg3A_162 = vector.broadcast %neg3A : f32 to vector<16xf32>
      %neg3A_163 = arith.subf %neg3A_162, %add3A_161 : vector<16xf32>
      %exp3A = math.exp %neg3A_163 : vector<16xf32>
      %add3A_164 = arith.constant 1.000000e+00 : f32
      %add3A_165 = vector.broadcast %add3A_164 : f32 to vector<16xf32>
      %add3A_166 = arith.addf %add3A_165, %exp3A : vector<16xf32>
      %div3A = arith.constant 1.000000e+00 : f32
      %div3A_167 = vector.broadcast %div3A : f32 to vector<16xf32>
      %div3A_168 = arith.divf %div3A_167, %add3A_166 : vector<16xf32>
      %mul3A_169 = arith.constant 16 : i32
      %mul3A_170 = arith.muli %scan3A_152, %mul3A_169 : i32
      %add3A_171 = arith.constant 0 : i32
      %add3A_172 = arith.addi %add3A_171, %mul3A_170 : i32
      %swap3A_173 = arith.index_cast %add3A_172 : i32 to index
      %swap3A_174 = tpu.vector_load %arg20[%swap3A_173] {strides = array<i32>} : memref<512xf32, #tpu.memory_space<vmem>>, vector<16xf32>,
      tpu.vector_store %arg20[%swap3A_173], %div3A_168 {strides = array<i32>} : memref<512xf32, #tpu.memory_space<vmem>>, vector<16xf32>,
      scf.yield %parallel_loop3A_159#0, %parallel_loop3A_159#1, %parallel_loop3A_159#2, %parallel_loop3A_159#3 : vector<16xf32>, vector<16xf32>, vector<16xf32>, vector<16xf32>
    }
    %scan3A_54 = arith.constant 8 : i32
    %dma_wait3A_55 = arith.constant 0 : i32
    %dma_wait3A_56 = tpu.memref_slice %arg11[%dma_wait3A_55] : memref<512xi32, #tpu.memory_space<vmem>> -> memref<128xi32, #tpu.memory_space<vmem>>
    %dma_wait3A_57 = arith.constant 0 : i32
    %dma_wait3A_58 = arith.constant 0 : i32
    %dma_wait3A_59 = tpu.memref_slice %arg5[%dma_wait3A_57, %dma_wait3A_58] : memref<100000x128xf32, #tpu.memory_space<hbm>> -> memref<100000x128xf32, #tpu.memory_space<hbm>>
    tpu.wait_indirect_dma semaphore(%arg25 : memref<!tpu.dma_semaphore, #tpu.memory_space<semaphore_mem>>) src(%dma_wait3A_59 : memref<100000x128xf32, #tpu.memory_space<hbm>>) dst(%arg17 : memref<128x128xf32, #tpu.memory_space<vmem>>)
    %dma_wait3A_60 = arith.constant 0 : i32
    %dma_wait3A_61 = tpu.memref_slice %arg12[%dma_wait3A_60] : memref<512xi32, #tpu.memory_space<vmem>> -> memref<128xi32, #tpu.memory_space<vmem>>
    %dma_wait3A_62 = arith.constant 0 : i32
    %dma_wait3A_63 = arith.constant 0 : i32
    %dma_wait3A_64 = tpu.memref_slice %arg6[%dma_wait3A_62, %dma_wait3A_63] : memref<1000x128xf32, #tpu.memory_space<hbm>> -> memref<1000x128xf32, #tpu.memory_space<hbm>>
    tpu.wait_indirect_dma semaphore(%arg25 : memref<!tpu.dma_semaphore, #tpu.memory_space<semaphore_mem>>) src(%dma_wait3A_64 : memref<1000x128xf32, #tpu.memory_space<hbm>>) dst(%arg18 : memref<128x128xf32, #tpu.memory_space<vmem>>)
    %dma_wait3A_65 = arith.constant 0 : i32
    %dma_wait3A_66 = tpu.memref_slice %arg13[%dma_wait3A_65] : memref<512xi32, #tpu.memory_space<vmem>> -> memref<128xi32, #tpu.memory_space<vmem>>
    %dma_wait3A_67 = arith.constant 0 : i32
    %dma_wait3A_68 = arith.constant 0 : i32
    %dma_wait3A_69 = tpu.memref_slice %arg5[%dma_wait3A_67, %dma_wait3A_68] : memref<100000x128xf32, #tpu.memory_space<hbm>> -> memref<100000x128xf32, #tpu.memory_space<hbm>>
    tpu.wait_indirect_dma semaphore(%arg25 : memref<!tpu.dma_semaphore, #tpu.memory_space<semaphore_mem>>) src(%dma_wait3A_69 : memref<100000x128xf32, #tpu.memory_space<hbm>>) dst(%arg19 : memref<128x128xf32, #tpu.memory_space<vmem>>)
    %dma_start3A_70 = arith.constant 256 : i32
    %dma_start3A_71 = tpu.memref_slice %arg11[%dma_start3A_70] : memref<512xi32, #tpu.memory_space<vmem>> -> memref<128xi32, #tpu.memory_space<vmem>>
    %dma_start3A_72 = arith.constant 0 : i32
    %dma_start3A_73 = arith.constant 0 : i32
    %dma_start3A_74 = tpu.memref_slice %arg5[%dma_start3A_72, %dma_start3A_73] : memref<100000x128xf32, #tpu.memory_space<hbm>> -> memref<100000x128xf32, #tpu.memory_space<hbm>>
    tpu.enqueue_indirect_dma source(%dma_start3A_74 : memref<100000x128xf32, #tpu.memory_space<hbm>>) target(%arg14 : memref<128x128xf32, #tpu.memory_space<vmem>>) offsets(%dma_start3A_71 : memref<128xi32, #tpu.memory_space<vmem>>) semaphore(%arg24 : memref<!tpu.dma_semaphore, #tpu.memory_space<semaphore_mem>>)
    %dma_start3A_75 = arith.constant 256 : i32
    %dma_start3A_76 = tpu.memref_slice %arg12[%dma_start3A_75] : memref<512xi32, #tpu.memory_space<vmem>> -> memref<128xi32, #tpu.memory_space<vmem>>
    %dma_start3A_77 = arith.constant 0 : i32
    %dma_start3A_78 = arith.constant 0 : i32
    %dma_start3A_79 = tpu.memref_slice %arg6[%dma_start3A_77, %dma_start3A_78] : memref<1000x128xf32, #tpu.memory_space<hbm>> -> memref<1000x128xf32, #tpu.memory_space<hbm>>
    tpu.enqueue_indirect_dma source(%dma_start3A_79 : memref<1000x128xf32, #tpu.memory_space<hbm>>) target(%arg15 : memref<128x128xf32, #tpu.memory_space<vmem>>) offsets(%dma_start3A_76 : memref<128xi32, #tpu.memory_space<vmem>>) semaphore(%arg24 : memref<!tpu.dma_semaphore, #tpu.memory_space<semaphore_mem>>)
    %dma_start3A_80 = arith.constant 256 : i32
    %dma_start3A_81 = tpu.memref_slice %arg13[%dma_start3A_80] : memref<512xi32, #tpu.memory_space<vmem>> -> memref<128xi32, #tpu.memory_space<vmem>>
    %dma_start3A_82 = arith.constant 0 : i32
    %dma_start3A_83 = arith.constant 0 : i32
    %dma_start3A_84 = tpu.memref_slice %arg5[%dma_start3A_82, %dma_start3A_83] : memref<100000x128xf32, #tpu.memory_space<hbm>> -> memref<100000x128xf32, #tpu.memory_space<hbm>>
    tpu.enqueue_indirect_dma source(%dma_start3A_84 : memref<100000x128xf32, #tpu.memory_space<hbm>>) target(%arg16 : memref<128x128xf32, #tpu.memory_space<vmem>>) offsets(%dma_start3A_81 : memref<128xi32, #tpu.memory_space<vmem>>) semaphore(%arg24 : memref<!tpu.dma_semaphore, #tpu.memory_space<semaphore_mem>>)
    %scan3A_85 = arith.constant 0 : i32
    %scan3A_86 = arith.constant 8 : i32
    %scan3A_87 = arith.addi %scan3A_85, %scan3A_86 : i32
    %scan3A_88 = arith.constant 1 : i32
    %scan3A_89:4 = scf.for %scan3A_152 = %scan3A_85 to %scan3A_87 step %scan3A_88 iter_args(%scan3A_153 = %scan3A_53#0, %scan3A_154 = %scan3A_53#1, %scan3A_155 = %scan3A_53#2, %scan3A_156 = %scan3A_53#3) -> (vector<16xf32>, vector<16xf32>, vector<16xf32>, vector<16xf32>)  : i32 {
      %parallel_loop3A = arith.constant 0 : i32
      %parallel_loop3A_157 = arith.constant 16 : i32
      %parallel_loop3A_158 = arith.constant 1 : i32
      %parallel_loop3A_159:5 = scf.for %parallel_loop3A_175 = %parallel_loop3A to %parallel_loop3A_157 step %parallel_loop3A_158 iter_args(%parallel_loop3A_176 = %scan3A_153, %parallel_loop3A_177 = %scan3A_154, %parallel_loop3A_178 = %scan3A_155, %parallel_loop3A_179 = %scan3A_156, %parallel_loop3A_180 = %broadcast_in_dim3A_3) -> (vector<16xf32>, vector<16xf32>, vector<16xf32>, vector<16xf32>, vector<16xf32>)  : i32 {
        %parallel_loop3A_181 = arith.constant 16 : i32
        %parallel_loop3A_182 = arith.muli %scan3A_152, %parallel_loop3A_181 : i32
        %parallel_loop3A_183 = arith.addi %parallel_loop3A_182, %parallel_loop3A_175 : i32
        %parallel_loop3A_184 = arith.index_cast %parallel_loop3A_183 : i32 to index
        %parallel_loop3A_185 = arith.constant 0 : index
        %parallel_loop3A_186 = tpu.vector_load %arg17[%parallel_loop3A_184, %parallel_loop3A_185] {strides = array<i32>} : memref<128x128xf32, #tpu.memory_space<vmem>>, vector<16xf32>,
        %parallel_loop3A_187 = arith.index_cast %parallel_loop3A_183 : i32 to index
        %parallel_loop3A_188 = arith.constant 16 : index
        %parallel_loop3A_189 = tpu.vector_load %arg17[%parallel_loop3A_187, %parallel_loop3A_188] {strides = array<i32>} : memref<128x128xf32, #tpu.memory_space<vmem>>, vector<16xf32>,
        %parallel_loop3A_190 = arith.index_cast %parallel_loop3A_183 : i32 to index
        %parallel_loop3A_191 = arith.constant 32 : index
        %parallel_loop3A_192 = tpu.vector_load %arg17[%parallel_loop3A_190, %parallel_loop3A_191] {strides = array<i32>} : memref<128x128xf32, #tpu.memory_space<vmem>>, vector<16xf32>,
        %parallel_loop3A_193 = arith.index_cast %parallel_loop3A_183 : i32 to index
        %parallel_loop3A_194 = arith.constant 48 : index
        %parallel_loop3A_195 = tpu.vector_load %arg17[%parallel_loop3A_193, %parallel_loop3A_194] {strides = array<i32>} : memref<128x128xf32, #tpu.memory_space<vmem>>, vector<16xf32>,
        %parallel_loop3A_196 = arith.index_cast %parallel_loop3A_183 : i32 to index
        %parallel_loop3A_197 = arith.constant 64 : index
        %parallel_loop3A_198 = tpu.vector_load %arg17[%parallel_loop3A_196, %parallel_loop3A_197] {strides = array<i32>} : memref<128x128xf32, #tpu.memory_space<vmem>>, vector<16xf32>,
        %parallel_loop3A_199 = arith.index_cast %parallel_loop3A_183 : i32 to index
        %parallel_loop3A_200 = arith.constant 80 : index
        %parallel_loop3A_201 = tpu.vector_load %arg17[%parallel_loop3A_199, %parallel_loop3A_200] {strides = array<i32>} : memref<128x128xf32, #tpu.memory_space<vmem>>, vector<16xf32>,
        %parallel_loop3A_202 = arith.index_cast %parallel_loop3A_183 : i32 to index
        %parallel_loop3A_203 = arith.constant 96 : index
        %parallel_loop3A_204 = tpu.vector_load %arg17[%parallel_loop3A_202, %parallel_loop3A_203] {strides = array<i32>} : memref<128x128xf32, #tpu.memory_space<vmem>>, vector<16xf32>,
        %parallel_loop3A_205 = arith.index_cast %parallel_loop3A_183 : i32 to index
        %parallel_loop3A_206 = arith.constant 112 : index
        %parallel_loop3A_207 = tpu.vector_load %arg17[%parallel_loop3A_205, %parallel_loop3A_206] {strides = array<i32>} : memref<128x128xf32, #tpu.memory_space<vmem>>, vector<16xf32>,
        %parallel_loop3A_208 = arith.index_cast %parallel_loop3A_183 : i32 to index
        %parallel_loop3A_209 = arith.constant 0 : index
        %parallel_loop3A_210 = tpu.vector_load %arg19[%parallel_loop3A_208, %parallel_loop3A_209] {strides = array<i32>} : memref<128x128xf32, #tpu.memory_space<vmem>>, vector<16xf32>,
        %parallel_loop3A_211 = arith.index_cast %parallel_loop3A_183 : i32 to index
        %parallel_loop3A_212 = arith.constant 16 : index
        %parallel_loop3A_213 = tpu.vector_load %arg19[%parallel_loop3A_211, %parallel_loop3A_212] {strides = array<i32>} : memref<128x128xf32, #tpu.memory_space<vmem>>, vector<16xf32>,
        %parallel_loop3A_214 = arith.index_cast %parallel_loop3A_183 : i32 to index
        %parallel_loop3A_215 = arith.constant 32 : index
        %parallel_loop3A_216 = tpu.vector_load %arg19[%parallel_loop3A_214, %parallel_loop3A_215] {strides = array<i32>} : memref<128x128xf32, #tpu.memory_space<vmem>>, vector<16xf32>,
        %parallel_loop3A_217 = arith.index_cast %parallel_loop3A_183 : i32 to index
        %parallel_loop3A_218 = arith.constant 48 : index
        %parallel_loop3A_219 = tpu.vector_load %arg19[%parallel_loop3A_217, %parallel_loop3A_218] {strides = array<i32>} : memref<128x128xf32, #tpu.memory_space<vmem>>, vector<16xf32>,
        %parallel_loop3A_220 = arith.index_cast %parallel_loop3A_183 : i32 to index
        %parallel_loop3A_221 = arith.constant 64 : index
        %parallel_loop3A_222 = tpu.vector_load %arg19[%parallel_loop3A_220, %parallel_loop3A_221] {strides = array<i32>} : memref<128x128xf32, #tpu.memory_space<vmem>>, vector<16xf32>,
        %parallel_loop3A_223 = arith.index_cast %parallel_loop3A_183 : i32 to index
        %parallel_loop3A_224 = arith.constant 80 : index
        %parallel_loop3A_225 = tpu.vector_load %arg19[%parallel_loop3A_223, %parallel_loop3A_224] {strides = array<i32>} : memref<128x128xf32, #tpu.memory_space<vmem>>, vector<16xf32>,
        %parallel_loop3A_226 = arith.index_cast %parallel_loop3A_183 : i32 to index
        %parallel_loop3A_227 = arith.constant 96 : index
        %parallel_loop3A_228 = tpu.vector_load %arg19[%parallel_loop3A_226, %parallel_loop3A_227] {strides = array<i32>} : memref<128x128xf32, #tpu.memory_space<vmem>>, vector<16xf32>,
        %parallel_loop3A_229 = arith.index_cast %parallel_loop3A_183 : i32 to index
        %parallel_loop3A_230 = arith.constant 112 : index
        %parallel_loop3A_231 = tpu.vector_load %arg19[%parallel_loop3A_229, %parallel_loop3A_230] {strides = array<i32>} : memref<128x128xf32, #tpu.memory_space<vmem>>, vector<16xf32>,
        %parallel_loop3A_232 = arith.index_cast %parallel_loop3A_183 : i32 to index
        %parallel_loop3A_233 = arith.constant 0 : index
        %parallel_loop3A_234 = tpu.vector_load %arg18[%parallel_loop3A_232, %parallel_loop3A_233] {strides = array<i32>} : memref<128x128xf32, #tpu.memory_space<vmem>>, vector<16xf32>,
        %parallel_loop3A_235 = arith.index_cast %parallel_loop3A_183 : i32 to index
        %parallel_loop3A_236 = arith.constant 16 : index
        %parallel_loop3A_237 = tpu.vector_load %arg18[%parallel_loop3A_235, %parallel_loop3A_236] {strides = array<i32>} : memref<128x128xf32, #tpu.memory_space<vmem>>, vector<16xf32>,
        %parallel_loop3A_238 = arith.index_cast %parallel_loop3A_183 : i32 to index
        %parallel_loop3A_239 = arith.constant 32 : index
        %parallel_loop3A_240 = tpu.vector_load %arg18[%parallel_loop3A_238, %parallel_loop3A_239] {strides = array<i32>} : memref<128x128xf32, #tpu.memory_space<vmem>>, vector<16xf32>,
        %parallel_loop3A_241 = arith.index_cast %parallel_loop3A_183 : i32 to index
        %parallel_loop3A_242 = arith.constant 48 : index
        %parallel_loop3A_243 = tpu.vector_load %arg18[%parallel_loop3A_241, %parallel_loop3A_242] {strides = array<i32>} : memref<128x128xf32, #tpu.memory_space<vmem>>, vector<16xf32>,
        %parallel_loop3A_244 = arith.index_cast %parallel_loop3A_183 : i32 to index
        %parallel_loop3A_245 = arith.constant 64 : index
        %parallel_loop3A_246 = tpu.vector_load %arg18[%parallel_loop3A_244, %parallel_loop3A_245] {strides = array<i32>} : memref<128x128xf32, #tpu.memory_space<vmem>>, vector<16xf32>,
        %parallel_loop3A_247 = arith.index_cast %parallel_loop3A_183 : i32 to index
        %parallel_loop3A_248 = arith.constant 80 : index
        %parallel_loop3A_249 = tpu.vector_load %arg18[%parallel_loop3A_247, %parallel_loop3A_248] {strides = array<i32>} : memref<128x128xf32, #tpu.memory_space<vmem>>, vector<16xf32>,
        %parallel_loop3A_250 = arith.index_cast %parallel_loop3A_183 : i32 to index
        %parallel_loop3A_251 = arith.constant 96 : index
        %parallel_loop3A_252 = tpu.vector_load %arg18[%parallel_loop3A_250, %parallel_loop3A_251] {strides = array<i32>} : memref<128x128xf32, #tpu.memory_space<vmem>>, vector<16xf32>,
        %parallel_loop3A_253 = arith.index_cast %parallel_loop3A_183 : i32 to index
        %parallel_loop3A_254 = arith.constant 112 : index
        %parallel_loop3A_255 = tpu.vector_load %arg18[%parallel_loop3A_253, %parallel_loop3A_254] {strides = array<i32>} : memref<128x128xf32, #tpu.memory_space<vmem>>, vector<16xf32>,
        %parallel_loop3A_256 = arith.mulf %parallel_loop3A_186, %parallel_loop3A_210 : vector<16xf32>
        %parallel_loop3A_257 = arith.mulf %parallel_loop3A_256, %parallel_loop3A_234 : vector<16xf32>
        %parallel_loop3A_258 = arith.mulf %parallel_loop3A_189, %parallel_loop3A_213 : vector<16xf32>
        %parallel_loop3A_259 = arith.mulf %parallel_loop3A_258, %parallel_loop3A_237 : vector<16xf32>
        %parallel_loop3A_260 = arith.mulf %parallel_loop3A_192, %parallel_loop3A_216 : vector<16xf32>
        %parallel_loop3A_261 = arith.mulf %parallel_loop3A_260, %parallel_loop3A_240 : vector<16xf32>
        %parallel_loop3A_262 = arith.mulf %parallel_loop3A_195, %parallel_loop3A_219 : vector<16xf32>
        %parallel_loop3A_263 = arith.mulf %parallel_loop3A_262, %parallel_loop3A_243 : vector<16xf32>
        %parallel_loop3A_264 = arith.mulf %parallel_loop3A_198, %parallel_loop3A_222 : vector<16xf32>
        %parallel_loop3A_265 = arith.mulf %parallel_loop3A_264, %parallel_loop3A_246 : vector<16xf32>
        %parallel_loop3A_266 = arith.mulf %parallel_loop3A_201, %parallel_loop3A_225 : vector<16xf32>
        %parallel_loop3A_267 = arith.mulf %parallel_loop3A_266, %parallel_loop3A_249 : vector<16xf32>
        %parallel_loop3A_268 = arith.mulf %parallel_loop3A_204, %parallel_loop3A_228 : vector<16xf32>
        %parallel_loop3A_269 = arith.mulf %parallel_loop3A_268, %parallel_loop3A_252 : vector<16xf32>
        %parallel_loop3A_270 = arith.mulf %parallel_loop3A_207, %parallel_loop3A_231 : vector<16xf32>
        %parallel_loop3A_271 = arith.mulf %parallel_loop3A_270, %parallel_loop3A_255 : vector<16xf32>
        %parallel_loop3A_272 = arith.addf %parallel_loop3A_257, %parallel_loop3A_259 : vector<16xf32>
        %parallel_loop3A_273 = arith.addf %parallel_loop3A_261, %parallel_loop3A_263 : vector<16xf32>
        %parallel_loop3A_274 = arith.addf %parallel_loop3A_272, %parallel_loop3A_273 : vector<16xf32>
        %parallel_loop3A_275 = arith.addf %parallel_loop3A_265, %parallel_loop3A_267 : vector<16xf32>
        %parallel_loop3A_276 = arith.addf %parallel_loop3A_269, %parallel_loop3A_271 : vector<16xf32>
        %parallel_loop3A_277 = arith.addf %parallel_loop3A_275, %parallel_loop3A_276 : vector<16xf32>
        %parallel_loop3A_278 = arith.addf %parallel_loop3A_274, %parallel_loop3A_277 : vector<16xf32>
        %parallel_loop3A_279 = arith.constant true
        %parallel_loop3A_280 = vector.broadcast %parallel_loop3A_279 : i1 to vector<16xi1>
        %parallel_loop3A_281 = tpu.scan <sum>, %parallel_loop3A_278 masked %parallel_loop3A_280 : vector<16xf32>, vector<16xi1> -> vector<16xf32>
        %parallel_loop3A_282 = vector.extract %parallel_loop3A_281[15] : f32 from vector<16xf32>
        %parallel_loop3A_283 = vector.broadcast %parallel_loop3A_175 : i32 to vector<16xi32>
        %parallel_loop3A_284 = arith.cmpi eq, %iota3A, %parallel_loop3A_283 : vector<16xi32>
        %parallel_loop3A_285 = vector.broadcast %parallel_loop3A_282 : f32 to vector<16xf32>
        %parallel_loop3A_286 = arith.select %parallel_loop3A_284, %parallel_loop3A_285, %parallel_loop3A_180 : vector<16xi1>, vector<16xf32>
        %parallel_loop3A_287 = arith.mulf %parallel_loop3A_186, %parallel_loop3A_186 : vector<16xf32>
        %parallel_loop3A_288 = arith.addf %parallel_loop3A_176, %parallel_loop3A_287 : vector<16xf32>
        %parallel_loop3A_289 = arith.mulf %parallel_loop3A_189, %parallel_loop3A_189 : vector<16xf32>
        %parallel_loop3A_290 = arith.addf %parallel_loop3A_177, %parallel_loop3A_289 : vector<16xf32>
        %parallel_loop3A_291 = arith.mulf %parallel_loop3A_192, %parallel_loop3A_192 : vector<16xf32>
        %parallel_loop3A_292 = arith.addf %parallel_loop3A_178, %parallel_loop3A_291 : vector<16xf32>
        %parallel_loop3A_293 = arith.mulf %parallel_loop3A_195, %parallel_loop3A_195 : vector<16xf32>
        %parallel_loop3A_294 = arith.addf %parallel_loop3A_179, %parallel_loop3A_293 : vector<16xf32>
        %parallel_loop3A_295 = arith.mulf %parallel_loop3A_198, %parallel_loop3A_198 : vector<16xf32>
        %parallel_loop3A_296 = arith.addf %parallel_loop3A_288, %parallel_loop3A_295 : vector<16xf32>
        %parallel_loop3A_297 = arith.mulf %parallel_loop3A_201, %parallel_loop3A_201 : vector<16xf32>
        %parallel_loop3A_298 = arith.addf %parallel_loop3A_290, %parallel_loop3A_297 : vector<16xf32>
        %parallel_loop3A_299 = arith.mulf %parallel_loop3A_204, %parallel_loop3A_204 : vector<16xf32>
        %parallel_loop3A_300 = arith.addf %parallel_loop3A_292, %parallel_loop3A_299 : vector<16xf32>
        %parallel_loop3A_301 = arith.mulf %parallel_loop3A_207, %parallel_loop3A_207 : vector<16xf32>
        %parallel_loop3A_302 = arith.addf %parallel_loop3A_294, %parallel_loop3A_301 : vector<16xf32>
        %parallel_loop3A_303 = arith.mulf %parallel_loop3A_210, %parallel_loop3A_210 : vector<16xf32>
        %parallel_loop3A_304 = arith.addf %parallel_loop3A_296, %parallel_loop3A_303 : vector<16xf32>
        %parallel_loop3A_305 = arith.mulf %parallel_loop3A_213, %parallel_loop3A_213 : vector<16xf32>
        %parallel_loop3A_306 = arith.addf %parallel_loop3A_298, %parallel_loop3A_305 : vector<16xf32>
        %parallel_loop3A_307 = arith.mulf %parallel_loop3A_216, %parallel_loop3A_216 : vector<16xf32>
        %parallel_loop3A_308 = arith.addf %parallel_loop3A_300, %parallel_loop3A_307 : vector<16xf32>
        %parallel_loop3A_309 = arith.mulf %parallel_loop3A_219, %parallel_loop3A_219 : vector<16xf32>
        %parallel_loop3A_310 = arith.addf %parallel_loop3A_302, %parallel_loop3A_309 : vector<16xf32>
        %parallel_loop3A_311 = arith.mulf %parallel_loop3A_222, %parallel_loop3A_222 : vector<16xf32>
        %parallel_loop3A_312 = arith.addf %parallel_loop3A_304, %parallel_loop3A_311 : vector<16xf32>
        %parallel_loop3A_313 = arith.mulf %parallel_loop3A_225, %parallel_loop3A_225 : vector<16xf32>
        %parallel_loop3A_314 = arith.addf %parallel_loop3A_306, %parallel_loop3A_313 : vector<16xf32>
        %parallel_loop3A_315 = arith.mulf %parallel_loop3A_228, %parallel_loop3A_228 : vector<16xf32>
        %parallel_loop3A_316 = arith.addf %parallel_loop3A_308, %parallel_loop3A_315 : vector<16xf32>
        %parallel_loop3A_317 = arith.mulf %parallel_loop3A_231, %parallel_loop3A_231 : vector<16xf32>
        %parallel_loop3A_318 = arith.addf %parallel_loop3A_310, %parallel_loop3A_317 : vector<16xf32>
        %parallel_loop3A_319 = arith.mulf %parallel_loop3A_234, %parallel_loop3A_234 : vector<16xf32>
        %parallel_loop3A_320 = arith.addf %parallel_loop3A_312, %parallel_loop3A_319 : vector<16xf32>
        %parallel_loop3A_321 = arith.mulf %parallel_loop3A_237, %parallel_loop3A_237 : vector<16xf32>
        %parallel_loop3A_322 = arith.addf %parallel_loop3A_314, %parallel_loop3A_321 : vector<16xf32>
        %parallel_loop3A_323 = arith.mulf %parallel_loop3A_240, %parallel_loop3A_240 : vector<16xf32>
        %parallel_loop3A_324 = arith.addf %parallel_loop3A_316, %parallel_loop3A_323 : vector<16xf32>
        %parallel_loop3A_325 = arith.mulf %parallel_loop3A_243, %parallel_loop3A_243 : vector<16xf32>
        %parallel_loop3A_326 = arith.addf %parallel_loop3A_318, %parallel_loop3A_325 : vector<16xf32>
        %parallel_loop3A_327 = arith.mulf %parallel_loop3A_246, %parallel_loop3A_246 : vector<16xf32>
        %parallel_loop3A_328 = arith.addf %parallel_loop3A_320, %parallel_loop3A_327 : vector<16xf32>
        %parallel_loop3A_329 = arith.mulf %parallel_loop3A_249, %parallel_loop3A_249 : vector<16xf32>
        %parallel_loop3A_330 = arith.addf %parallel_loop3A_322, %parallel_loop3A_329 : vector<16xf32>
        %parallel_loop3A_331 = arith.mulf %parallel_loop3A_252, %parallel_loop3A_252 : vector<16xf32>
        %parallel_loop3A_332 = arith.addf %parallel_loop3A_324, %parallel_loop3A_331 : vector<16xf32>
        %parallel_loop3A_333 = arith.mulf %parallel_loop3A_255, %parallel_loop3A_255 : vector<16xf32>
        %parallel_loop3A_334 = arith.addf %parallel_loop3A_326, %parallel_loop3A_333 : vector<16xf32>
        scf.yield %parallel_loop3A_328, %parallel_loop3A_330, %parallel_loop3A_332, %parallel_loop3A_334, %parallel_loop3A_286 : vector<16xf32>, vector<16xf32>, vector<16xf32>, vector<16xf32>, vector<16xf32>
      } {sc.loop_unroll_factor = 2 : i64, sc.parallel_access}
      %mul3A_160 = arith.mulf %parallel_loop3A_159#4, %get3A_4 : vector<16xf32>
      %add3A_161 = arith.addf %mul3A_160, %get3A_6 : vector<16xf32>
      %neg3A = arith.constant 0.000000e+00 : f32
      %neg3A_162 = vector.broadcast %neg3A : f32 to vector<16xf32>
      %neg3A_163 = arith.subf %neg3A_162, %add3A_161 : vector<16xf32>
      %exp3A = math.exp %neg3A_163 : vector<16xf32>
      %add3A_164 = arith.constant 1.000000e+00 : f32
      %add3A_165 = vector.broadcast %add3A_164 : f32 to vector<16xf32>
      %add3A_166 = arith.addf %add3A_165, %exp3A : vector<16xf32>
      %div3A = arith.constant 1.000000e+00 : f32
      %div3A_167 = vector.broadcast %div3A : f32 to vector<16xf32>
      %div3A_168 = arith.divf %div3A_167, %add3A_166 : vector<16xf32>
      %mul3A_169 = arith.constant 16 : i32
      %mul3A_170 = arith.muli %scan3A_152, %mul3A_169 : i32
      %add3A_171 = arith.constant 128 : i32
      %add3A_172 = arith.addi %add3A_171, %mul3A_170 : i32
      %swap3A_173 = arith.index_cast %add3A_172 : i32 to index
      %swap3A_174 = tpu.vector_load %arg20[%swap3A_173] {strides = array<i32>} : memref<512xf32, #tpu.memory_space<vmem>>, vector<16xf32>,
      tpu.vector_store %arg20[%swap3A_173], %div3A_168 {strides = array<i32>} : memref<512xf32, #tpu.memory_space<vmem>>, vector<16xf32>,
      scf.yield %parallel_loop3A_159#0, %parallel_loop3A_159#1, %parallel_loop3A_159#2, %parallel_loop3A_159#3 : vector<16xf32>, vector<16xf32>, vector<16xf32>, vector<16xf32>
    }
    %scan3A_90 = arith.constant 8 : i32
    %dma_wait3A_91 = arith.constant 0 : i32
    %dma_wait3A_92 = tpu.memref_slice %arg11[%dma_wait3A_91] : memref<512xi32, #tpu.memory_space<vmem>> -> memref<128xi32, #tpu.memory_space<vmem>>
    %dma_wait3A_93 = arith.constant 0 : i32
    %dma_wait3A_94 = arith.constant 0 : i32
    %dma_wait3A_95 = tpu.memref_slice %arg5[%dma_wait3A_93, %dma_wait3A_94] : memref<100000x128xf32, #tpu.memory_space<hbm>> -> memref<100000x128xf32, #tpu.memory_space<hbm>>
    tpu.wait_indirect_dma semaphore(%arg24 : memref<!tpu.dma_semaphore, #tpu.memory_space<semaphore_mem>>) src(%dma_wait3A_95 : memref<100000x128xf32, #tpu.memory_space<hbm>>) dst(%arg14 : memref<128x128xf32, #tpu.memory_space<vmem>>)
    %dma_wait3A_96 = arith.constant 0 : i32
    %dma_wait3A_97 = tpu.memref_slice %arg12[%dma_wait3A_96] : memref<512xi32, #tpu.memory_space<vmem>> -> memref<128xi32, #tpu.memory_space<vmem>>
    %dma_wait3A_98 = arith.constant 0 : i32
    %dma_wait3A_99 = arith.constant 0 : i32
    %dma_wait3A_100 = tpu.memref_slice %arg6[%dma_wait3A_98, %dma_wait3A_99] : memref<1000x128xf32, #tpu.memory_space<hbm>> -> memref<1000x128xf32, #tpu.memory_space<hbm>>
    tpu.wait_indirect_dma semaphore(%arg24 : memref<!tpu.dma_semaphore, #tpu.memory_space<semaphore_mem>>) src(%dma_wait3A_100 : memref<1000x128xf32, #tpu.memory_space<hbm>>) dst(%arg15 : memref<128x128xf32, #tpu.memory_space<vmem>>)
    %dma_wait3A_101 = arith.constant 0 : i32
    %dma_wait3A_102 = tpu.memref_slice %arg13[%dma_wait3A_101] : memref<512xi32, #tpu.memory_space<vmem>> -> memref<128xi32, #tpu.memory_space<vmem>>
    %dma_wait3A_103 = arith.constant 0 : i32
    %dma_wait3A_104 = arith.constant 0 : i32
    %dma_wait3A_105 = tpu.memref_slice %arg5[%dma_wait3A_103, %dma_wait3A_104] : memref<100000x128xf32, #tpu.memory_space<hbm>> -> memref<100000x128xf32, #tpu.memory_space<hbm>>
    tpu.wait_indirect_dma semaphore(%arg24 : memref<!tpu.dma_semaphore, #tpu.memory_space<semaphore_mem>>) src(%dma_wait3A_105 : memref<100000x128xf32, #tpu.memory_space<hbm>>) dst(%arg16 : memref<128x128xf32, #tpu.memory_space<vmem>>)
    %dma_start3A_106 = arith.constant 384 : i32
    %dma_start3A_107 = tpu.memref_slice %arg11[%dma_start3A_106] : memref<512xi32, #tpu.memory_space<vmem>> -> memref<128xi32, #tpu.memory_space<vmem>>
    %dma_start3A_108 = arith.constant 0 : i32
    %dma_start3A_109 = arith.constant 0 : i32
    %dma_start3A_110 = tpu.memref_slice %arg5[%dma_start3A_108, %dma_start3A_109] : memref<100000x128xf32, #tpu.memory_space<hbm>> -> memref<100000x128xf32, #tpu.memory_space<hbm>>
    tpu.enqueue_indirect_dma source(%dma_start3A_110 : memref<100000x128xf32, #tpu.memory_space<hbm>>) target(%arg17 : memref<128x128xf32, #tpu.memory_space<vmem>>) offsets(%dma_start3A_107 : memref<128xi32, #tpu.memory_space<vmem>>) semaphore(%arg25 : memref<!tpu.dma_semaphore, #tpu.memory_space<semaphore_mem>>)
    %dma_start3A_111 = arith.constant 384 : i32
    %dma_start3A_112 = tpu.memref_slice %arg12[%dma_start3A_111] : memref<512xi32, #tpu.memory_space<vmem>> -> memref<128xi32, #tpu.memory_space<vmem>>
    %dma_start3A_113 = arith.constant 0 : i32
    %dma_start3A_114 = arith.constant 0 : i32
    %dma_start3A_115 = tpu.memref_slice %arg6[%dma_start3A_113, %dma_start3A_114] : memref<1000x128xf32, #tpu.memory_space<hbm>> -> memref<1000x128xf32, #tpu.memory_space<hbm>>
    tpu.enqueue_indirect_dma source(%dma_start3A_115 : memref<1000x128xf32, #tpu.memory_space<hbm>>) target(%arg18 : memref<128x128xf32, #tpu.memory_space<vmem>>) offsets(%dma_start3A_112 : memref<128xi32, #tpu.memory_space<vmem>>) semaphore(%arg25 : memref<!tpu.dma_semaphore, #tpu.memory_space<semaphore_mem>>)
    %dma_start3A_116 = arith.constant 384 : i32
    %dma_start3A_117 = tpu.memref_slice %arg13[%dma_start3A_116] : memref<512xi32, #tpu.memory_space<vmem>> -> memref<128xi32, #tpu.memory_space<vmem>>
    %dma_start3A_118 = arith.constant 0 : i32
    %dma_start3A_119 = arith.constant 0 : i32
    %dma_start3A_120 = tpu.memref_slice %arg5[%dma_start3A_118, %dma_start3A_119] : memref<100000x128xf32, #tpu.memory_space<hbm>> -> memref<100000x128xf32, #tpu.memory_space<hbm>>
    tpu.enqueue_indirect_dma source(%dma_start3A_120 : memref<100000x128xf32, #tpu.memory_space<hbm>>) target(%arg19 : memref<128x128xf32, #tpu.memory_space<vmem>>) offsets(%dma_start3A_117 : memref<128xi32, #tpu.memory_space<vmem>>) semaphore(%arg25 : memref<!tpu.dma_semaphore, #tpu.memory_space<semaphore_mem>>)
    %scan3A_121 = arith.constant 0 : i32
    %scan3A_122 = arith.constant 8 : i32
    %scan3A_123 = arith.addi %scan3A_121, %scan3A_122 : i32
    %scan3A_124 = arith.constant 1 : i32
    %scan3A_125:4 = scf.for %scan3A_152 = %scan3A_121 to %scan3A_123 step %scan3A_124 iter_args(%scan3A_153 = %scan3A_89#0, %scan3A_154 = %scan3A_89#1, %scan3A_155 = %scan3A_89#2, %scan3A_156 = %scan3A_89#3) -> (vector<16xf32>, vector<16xf32>, vector<16xf32>, vector<16xf32>)  : i32 {
      %parallel_loop3A = arith.constant 0 : i32
      %parallel_loop3A_157 = arith.constant 16 : i32
      %parallel_loop3A_158 = arith.constant 1 : i32
      %parallel_loop3A_159:5 = scf.for %parallel_loop3A_175 = %parallel_loop3A to %parallel_loop3A_157 step %parallel_loop3A_158 iter_args(%parallel_loop3A_176 = %scan3A_153, %parallel_loop3A_177 = %scan3A_154, %parallel_loop3A_178 = %scan3A_155, %parallel_loop3A_179 = %scan3A_156, %parallel_loop3A_180 = %broadcast_in_dim3A_3) -> (vector<16xf32>, vector<16xf32>, vector<16xf32>, vector<16xf32>, vector<16xf32>)  : i32 {
        %parallel_loop3A_181 = arith.constant 16 : i32
        %parallel_loop3A_182 = arith.muli %scan3A_152, %parallel_loop3A_181 : i32
        %parallel_loop3A_183 = arith.addi %parallel_loop3A_182, %parallel_loop3A_175 : i32
        %parallel_loop3A_184 = arith.index_cast %parallel_loop3A_183 : i32 to index
        %parallel_loop3A_185 = arith.constant 0 : index
        %parallel_loop3A_186 = tpu.vector_load %arg14[%parallel_loop3A_184, %parallel_loop3A_185] {strides = array<i32>} : memref<128x128xf32, #tpu.memory_space<vmem>>, vector<16xf32>,
        %parallel_loop3A_187 = arith.index_cast %parallel_loop3A_183 : i32 to index
        %parallel_loop3A_188 = arith.constant 16 : index
        %parallel_loop3A_189 = tpu.vector_load %arg14[%parallel_loop3A_187, %parallel_loop3A_188] {strides = array<i32>} : memref<128x128xf32, #tpu.memory_space<vmem>>, vector<16xf32>,
        %parallel_loop3A_190 = arith.index_cast %parallel_loop3A_183 : i32 to index
        %parallel_loop3A_191 = arith.constant 32 : index
        %parallel_loop3A_192 = tpu.vector_load %arg14[%parallel_loop3A_190, %parallel_loop3A_191] {strides = array<i32>} : memref<128x128xf32, #tpu.memory_space<vmem>>, vector<16xf32>,
        %parallel_loop3A_193 = arith.index_cast %parallel_loop3A_183 : i32 to index
        %parallel_loop3A_194 = arith.constant 48 : index
        %parallel_loop3A_195 = tpu.vector_load %arg14[%parallel_loop3A_193, %parallel_loop3A_194] {strides = array<i32>} : memref<128x128xf32, #tpu.memory_space<vmem>>, vector<16xf32>,
        %parallel_loop3A_196 = arith.index_cast %parallel_loop3A_183 : i32 to index
        %parallel_loop3A_197 = arith.constant 64 : index
        %parallel_loop3A_198 = tpu.vector_load %arg14[%parallel_loop3A_196, %parallel_loop3A_197] {strides = array<i32>} : memref<128x128xf32, #tpu.memory_space<vmem>>, vector<16xf32>,
        %parallel_loop3A_199 = arith.index_cast %parallel_loop3A_183 : i32 to index
        %parallel_loop3A_200 = arith.constant 80 : index
        %parallel_loop3A_201 = tpu.vector_load %arg14[%parallel_loop3A_199, %parallel_loop3A_200] {strides = array<i32>} : memref<128x128xf32, #tpu.memory_space<vmem>>, vector<16xf32>,
        %parallel_loop3A_202 = arith.index_cast %parallel_loop3A_183 : i32 to index
        %parallel_loop3A_203 = arith.constant 96 : index
        %parallel_loop3A_204 = tpu.vector_load %arg14[%parallel_loop3A_202, %parallel_loop3A_203] {strides = array<i32>} : memref<128x128xf32, #tpu.memory_space<vmem>>, vector<16xf32>,
        %parallel_loop3A_205 = arith.index_cast %parallel_loop3A_183 : i32 to index
        %parallel_loop3A_206 = arith.constant 112 : index
        %parallel_loop3A_207 = tpu.vector_load %arg14[%parallel_loop3A_205, %parallel_loop3A_206] {strides = array<i32>} : memref<128x128xf32, #tpu.memory_space<vmem>>, vector<16xf32>,
        %parallel_loop3A_208 = arith.index_cast %parallel_loop3A_183 : i32 to index
        %parallel_loop3A_209 = arith.constant 0 : index
        %parallel_loop3A_210 = tpu.vector_load %arg16[%parallel_loop3A_208, %parallel_loop3A_209] {strides = array<i32>} : memref<128x128xf32, #tpu.memory_space<vmem>>, vector<16xf32>,
        %parallel_loop3A_211 = arith.index_cast %parallel_loop3A_183 : i32 to index
        %parallel_loop3A_212 = arith.constant 16 : index
        %parallel_loop3A_213 = tpu.vector_load %arg16[%parallel_loop3A_211, %parallel_loop3A_212] {strides = array<i32>} : memref<128x128xf32, #tpu.memory_space<vmem>>, vector<16xf32>,
        %parallel_loop3A_214 = arith.index_cast %parallel_loop3A_183 : i32 to index
        %parallel_loop3A_215 = arith.constant 32 : index
        %parallel_loop3A_216 = tpu.vector_load %arg16[%parallel_loop3A_214, %parallel_loop3A_215] {strides = array<i32>} : memref<128x128xf32, #tpu.memory_space<vmem>>, vector<16xf32>,
        %parallel_loop3A_217 = arith.index_cast %parallel_loop3A_183 : i32 to index
        %parallel_loop3A_218 = arith.constant 48 : index
        %parallel_loop3A_219 = tpu.vector_load %arg16[%parallel_loop3A_217, %parallel_loop3A_218] {strides = array<i32>} : memref<128x128xf32, #tpu.memory_space<vmem>>, vector<16xf32>,
        %parallel_loop3A_220 = arith.index_cast %parallel_loop3A_183 : i32 to index
        %parallel_loop3A_221 = arith.constant 64 : index
        %parallel_loop3A_222 = tpu.vector_load %arg16[%parallel_loop3A_220, %parallel_loop3A_221] {strides = array<i32>} : memref<128x128xf32, #tpu.memory_space<vmem>>, vector<16xf32>,
        %parallel_loop3A_223 = arith.index_cast %parallel_loop3A_183 : i32 to index
        %parallel_loop3A_224 = arith.constant 80 : index
        %parallel_loop3A_225 = tpu.vector_load %arg16[%parallel_loop3A_223, %parallel_loop3A_224] {strides = array<i32>} : memref<128x128xf32, #tpu.memory_space<vmem>>, vector<16xf32>,
        %parallel_loop3A_226 = arith.index_cast %parallel_loop3A_183 : i32 to index
        %parallel_loop3A_227 = arith.constant 96 : index
        %parallel_loop3A_228 = tpu.vector_load %arg16[%parallel_loop3A_226, %parallel_loop3A_227] {strides = array<i32>} : memref<128x128xf32, #tpu.memory_space<vmem>>, vector<16xf32>,
        %parallel_loop3A_229 = arith.index_cast %parallel_loop3A_183 : i32 to index
        %parallel_loop3A_230 = arith.constant 112 : index
        %parallel_loop3A_231 = tpu.vector_load %arg16[%parallel_loop3A_229, %parallel_loop3A_230] {strides = array<i32>} : memref<128x128xf32, #tpu.memory_space<vmem>>, vector<16xf32>,
        %parallel_loop3A_232 = arith.index_cast %parallel_loop3A_183 : i32 to index
        %parallel_loop3A_233 = arith.constant 0 : index
        %parallel_loop3A_234 = tpu.vector_load %arg15[%parallel_loop3A_232, %parallel_loop3A_233] {strides = array<i32>} : memref<128x128xf32, #tpu.memory_space<vmem>>, vector<16xf32>,
        %parallel_loop3A_235 = arith.index_cast %parallel_loop3A_183 : i32 to index
        %parallel_loop3A_236 = arith.constant 16 : index
        %parallel_loop3A_237 = tpu.vector_load %arg15[%parallel_loop3A_235, %parallel_loop3A_236] {strides = array<i32>} : memref<128x128xf32, #tpu.memory_space<vmem>>, vector<16xf32>,
        %parallel_loop3A_238 = arith.index_cast %parallel_loop3A_183 : i32 to index
        %parallel_loop3A_239 = arith.constant 32 : index
        %parallel_loop3A_240 = tpu.vector_load %arg15[%parallel_loop3A_238, %parallel_loop3A_239] {strides = array<i32>} : memref<128x128xf32, #tpu.memory_space<vmem>>, vector<16xf32>,
        %parallel_loop3A_241 = arith.index_cast %parallel_loop3A_183 : i32 to index
        %parallel_loop3A_242 = arith.constant 48 : index
        %parallel_loop3A_243 = tpu.vector_load %arg15[%parallel_loop3A_241, %parallel_loop3A_242] {strides = array<i32>} : memref<128x128xf32, #tpu.memory_space<vmem>>, vector<16xf32>,
        %parallel_loop3A_244 = arith.index_cast %parallel_loop3A_183 : i32 to index
        %parallel_loop3A_245 = arith.constant 64 : index
        %parallel_loop3A_246 = tpu.vector_load %arg15[%parallel_loop3A_244, %parallel_loop3A_245] {strides = array<i32>} : memref<128x128xf32, #tpu.memory_space<vmem>>, vector<16xf32>,
        %parallel_loop3A_247 = arith.index_cast %parallel_loop3A_183 : i32 to index
        %parallel_loop3A_248 = arith.constant 80 : index
        %parallel_loop3A_249 = tpu.vector_load %arg15[%parallel_loop3A_247, %parallel_loop3A_248] {strides = array<i32>} : memref<128x128xf32, #tpu.memory_space<vmem>>, vector<16xf32>,
        %parallel_loop3A_250 = arith.index_cast %parallel_loop3A_183 : i32 to index
        %parallel_loop3A_251 = arith.constant 96 : index
        %parallel_loop3A_252 = tpu.vector_load %arg15[%parallel_loop3A_250, %parallel_loop3A_251] {strides = array<i32>} : memref<128x128xf32, #tpu.memory_space<vmem>>, vector<16xf32>,
        %parallel_loop3A_253 = arith.index_cast %parallel_loop3A_183 : i32 to index
        %parallel_loop3A_254 = arith.constant 112 : index
        %parallel_loop3A_255 = tpu.vector_load %arg15[%parallel_loop3A_253, %parallel_loop3A_254] {strides = array<i32>} : memref<128x128xf32, #tpu.memory_space<vmem>>, vector<16xf32>,
        %parallel_loop3A_256 = arith.mulf %parallel_loop3A_186, %parallel_loop3A_210 : vector<16xf32>
        %parallel_loop3A_257 = arith.mulf %parallel_loop3A_256, %parallel_loop3A_234 : vector<16xf32>
        %parallel_loop3A_258 = arith.mulf %parallel_loop3A_189, %parallel_loop3A_213 : vector<16xf32>
        %parallel_loop3A_259 = arith.mulf %parallel_loop3A_258, %parallel_loop3A_237 : vector<16xf32>
        %parallel_loop3A_260 = arith.mulf %parallel_loop3A_192, %parallel_loop3A_216 : vector<16xf32>
        %parallel_loop3A_261 = arith.mulf %parallel_loop3A_260, %parallel_loop3A_240 : vector<16xf32>
        %parallel_loop3A_262 = arith.mulf %parallel_loop3A_195, %parallel_loop3A_219 : vector<16xf32>
        %parallel_loop3A_263 = arith.mulf %parallel_loop3A_262, %parallel_loop3A_243 : vector<16xf32>
        %parallel_loop3A_264 = arith.mulf %parallel_loop3A_198, %parallel_loop3A_222 : vector<16xf32>
        %parallel_loop3A_265 = arith.mulf %parallel_loop3A_264, %parallel_loop3A_246 : vector<16xf32>
        %parallel_loop3A_266 = arith.mulf %parallel_loop3A_201, %parallel_loop3A_225 : vector<16xf32>
        %parallel_loop3A_267 = arith.mulf %parallel_loop3A_266, %parallel_loop3A_249 : vector<16xf32>
        %parallel_loop3A_268 = arith.mulf %parallel_loop3A_204, %parallel_loop3A_228 : vector<16xf32>
        %parallel_loop3A_269 = arith.mulf %parallel_loop3A_268, %parallel_loop3A_252 : vector<16xf32>
        %parallel_loop3A_270 = arith.mulf %parallel_loop3A_207, %parallel_loop3A_231 : vector<16xf32>
        %parallel_loop3A_271 = arith.mulf %parallel_loop3A_270, %parallel_loop3A_255 : vector<16xf32>
        %parallel_loop3A_272 = arith.addf %parallel_loop3A_257, %parallel_loop3A_259 : vector<16xf32>
        %parallel_loop3A_273 = arith.addf %parallel_loop3A_261, %parallel_loop3A_263 : vector<16xf32>
        %parallel_loop3A_274 = arith.addf %parallel_loop3A_272, %parallel_loop3A_273 : vector<16xf32>
        %parallel_loop3A_275 = arith.addf %parallel_loop3A_265, %parallel_loop3A_267 : vector<16xf32>
        %parallel_loop3A_276 = arith.addf %parallel_loop3A_269, %parallel_loop3A_271 : vector<16xf32>
        %parallel_loop3A_277 = arith.addf %parallel_loop3A_275, %parallel_loop3A_276 : vector<16xf32>
        %parallel_loop3A_278 = arith.addf %parallel_loop3A_274, %parallel_loop3A_277 : vector<16xf32>
        %parallel_loop3A_279 = arith.constant true
        %parallel_loop3A_280 = vector.broadcast %parallel_loop3A_279 : i1 to vector<16xi1>
        %parallel_loop3A_281 = tpu.scan <sum>, %parallel_loop3A_278 masked %parallel_loop3A_280 : vector<16xf32>, vector<16xi1> -> vector<16xf32>
        %parallel_loop3A_282 = vector.extract %parallel_loop3A_281[15] : f32 from vector<16xf32>
        %parallel_loop3A_283 = vector.broadcast %parallel_loop3A_175 : i32 to vector<16xi32>
        %parallel_loop3A_284 = arith.cmpi eq, %iota3A, %parallel_loop3A_283 : vector<16xi32>
        %parallel_loop3A_285 = vector.broadcast %parallel_loop3A_282 : f32 to vector<16xf32>
        %parallel_loop3A_286 = arith.select %parallel_loop3A_284, %parallel_loop3A_285, %parallel_loop3A_180 : vector<16xi1>, vector<16xf32>
        %parallel_loop3A_287 = arith.mulf %parallel_loop3A_186, %parallel_loop3A_186 : vector<16xf32>
        %parallel_loop3A_288 = arith.addf %parallel_loop3A_176, %parallel_loop3A_287 : vector<16xf32>
        %parallel_loop3A_289 = arith.mulf %parallel_loop3A_189, %parallel_loop3A_189 : vector<16xf32>
        %parallel_loop3A_290 = arith.addf %parallel_loop3A_177, %parallel_loop3A_289 : vector<16xf32>
        %parallel_loop3A_291 = arith.mulf %parallel_loop3A_192, %parallel_loop3A_192 : vector<16xf32>
        %parallel_loop3A_292 = arith.addf %parallel_loop3A_178, %parallel_loop3A_291 : vector<16xf32>
        %parallel_loop3A_293 = arith.mulf %parallel_loop3A_195, %parallel_loop3A_195 : vector<16xf32>
        %parallel_loop3A_294 = arith.addf %parallel_loop3A_179, %parallel_loop3A_293 : vector<16xf32>
        %parallel_loop3A_295 = arith.mulf %parallel_loop3A_198, %parallel_loop3A_198 : vector<16xf32>
        %parallel_loop3A_296 = arith.addf %parallel_loop3A_288, %parallel_loop3A_295 : vector<16xf32>
        %parallel_loop3A_297 = arith.mulf %parallel_loop3A_201, %parallel_loop3A_201 : vector<16xf32>
        %parallel_loop3A_298 = arith.addf %parallel_loop3A_290, %parallel_loop3A_297 : vector<16xf32>
        %parallel_loop3A_299 = arith.mulf %parallel_loop3A_204, %parallel_loop3A_204 : vector<16xf32>
        %parallel_loop3A_300 = arith.addf %parallel_loop3A_292, %parallel_loop3A_299 : vector<16xf32>
        %parallel_loop3A_301 = arith.mulf %parallel_loop3A_207, %parallel_loop3A_207 : vector<16xf32>
        %parallel_loop3A_302 = arith.addf %parallel_loop3A_294, %parallel_loop3A_301 : vector<16xf32>
        %parallel_loop3A_303 = arith.mulf %parallel_loop3A_210, %parallel_loop3A_210 : vector<16xf32>
        %parallel_loop3A_304 = arith.addf %parallel_loop3A_296, %parallel_loop3A_303 : vector<16xf32>
        %parallel_loop3A_305 = arith.mulf %parallel_loop3A_213, %parallel_loop3A_213 : vector<16xf32>
        %parallel_loop3A_306 = arith.addf %parallel_loop3A_298, %parallel_loop3A_305 : vector<16xf32>
        %parallel_loop3A_307 = arith.mulf %parallel_loop3A_216, %parallel_loop3A_216 : vector<16xf32>
        %parallel_loop3A_308 = arith.addf %parallel_loop3A_300, %parallel_loop3A_307 : vector<16xf32>
        %parallel_loop3A_309 = arith.mulf %parallel_loop3A_219, %parallel_loop3A_219 : vector<16xf32>
        %parallel_loop3A_310 = arith.addf %parallel_loop3A_302, %parallel_loop3A_309 : vector<16xf32>
        %parallel_loop3A_311 = arith.mulf %parallel_loop3A_222, %parallel_loop3A_222 : vector<16xf32>
        %parallel_loop3A_312 = arith.addf %parallel_loop3A_304, %parallel_loop3A_311 : vector<16xf32>
        %parallel_loop3A_313 = arith.mulf %parallel_loop3A_225, %parallel_loop3A_225 : vector<16xf32>
        %parallel_loop3A_314 = arith.addf %parallel_loop3A_306, %parallel_loop3A_313 : vector<16xf32>
        %parallel_loop3A_315 = arith.mulf %parallel_loop3A_228, %parallel_loop3A_228 : vector<16xf32>
        %parallel_loop3A_316 = arith.addf %parallel_loop3A_308, %parallel_loop3A_315 : vector<16xf32>
        %parallel_loop3A_317 = arith.mulf %parallel_loop3A_231, %parallel_loop3A_231 : vector<16xf32>
        %parallel_loop3A_318 = arith.addf %parallel_loop3A_310, %parallel_loop3A_317 : vector<16xf32>
        %parallel_loop3A_319 = arith.mulf %parallel_loop3A_234, %parallel_loop3A_234 : vector<16xf32>
        %parallel_loop3A_320 = arith.addf %parallel_loop3A_312, %parallel_loop3A_319 : vector<16xf32>
        %parallel_loop3A_321 = arith.mulf %parallel_loop3A_237, %parallel_loop3A_237 : vector<16xf32>
        %parallel_loop3A_322 = arith.addf %parallel_loop3A_314, %parallel_loop3A_321 : vector<16xf32>
        %parallel_loop3A_323 = arith.mulf %parallel_loop3A_240, %parallel_loop3A_240 : vector<16xf32>
        %parallel_loop3A_324 = arith.addf %parallel_loop3A_316, %parallel_loop3A_323 : vector<16xf32>
        %parallel_loop3A_325 = arith.mulf %parallel_loop3A_243, %parallel_loop3A_243 : vector<16xf32>
        %parallel_loop3A_326 = arith.addf %parallel_loop3A_318, %parallel_loop3A_325 : vector<16xf32>
        %parallel_loop3A_327 = arith.mulf %parallel_loop3A_246, %parallel_loop3A_246 : vector<16xf32>
        %parallel_loop3A_328 = arith.addf %parallel_loop3A_320, %parallel_loop3A_327 : vector<16xf32>
        %parallel_loop3A_329 = arith.mulf %parallel_loop3A_249, %parallel_loop3A_249 : vector<16xf32>
        %parallel_loop3A_330 = arith.addf %parallel_loop3A_322, %parallel_loop3A_329 : vector<16xf32>
        %parallel_loop3A_331 = arith.mulf %parallel_loop3A_252, %parallel_loop3A_252 : vector<16xf32>
        %parallel_loop3A_332 = arith.addf %parallel_loop3A_324, %parallel_loop3A_331 : vector<16xf32>
        %parallel_loop3A_333 = arith.mulf %parallel_loop3A_255, %parallel_loop3A_255 : vector<16xf32>
        %parallel_loop3A_334 = arith.addf %parallel_loop3A_326, %parallel_loop3A_333 : vector<16xf32>
        scf.yield %parallel_loop3A_328, %parallel_loop3A_330, %parallel_loop3A_332, %parallel_loop3A_334, %parallel_loop3A_286 : vector<16xf32>, vector<16xf32>, vector<16xf32>, vector<16xf32>, vector<16xf32>
      } {sc.loop_unroll_factor = 2 : i64, sc.parallel_access}
      %mul3A_160 = arith.mulf %parallel_loop3A_159#4, %get3A_4 : vector<16xf32>
      %add3A_161 = arith.addf %mul3A_160, %get3A_6 : vector<16xf32>
      %neg3A = arith.constant 0.000000e+00 : f32
      %neg3A_162 = vector.broadcast %neg3A : f32 to vector<16xf32>
      %neg3A_163 = arith.subf %neg3A_162, %add3A_161 : vector<16xf32>
      %exp3A = math.exp %neg3A_163 : vector<16xf32>
      %add3A_164 = arith.constant 1.000000e+00 : f32
      %add3A_165 = vector.broadcast %add3A_164 : f32 to vector<16xf32>
      %add3A_166 = arith.addf %add3A_165, %exp3A : vector<16xf32>
      %div3A = arith.constant 1.000000e+00 : f32
      %div3A_167 = vector.broadcast %div3A : f32 to vector<16xf32>
      %div3A_168 = arith.divf %div3A_167, %add3A_166 : vector<16xf32>
      %mul3A_169 = arith.constant 16 : i32
      %mul3A_170 = arith.muli %scan3A_152, %mul3A_169 : i32
      %add3A_171 = arith.constant 256 : i32
      %add3A_172 = arith.addi %add3A_171, %mul3A_170 : i32
      %swap3A_173 = arith.index_cast %add3A_172 : i32 to index
      %swap3A_174 = tpu.vector_load %arg20[%swap3A_173] {strides = array<i32>} : memref<512xf32, #tpu.memory_space<vmem>>, vector<16xf32>,
      tpu.vector_store %arg20[%swap3A_173], %div3A_168 {strides = array<i32>} : memref<512xf32, #tpu.memory_space<vmem>>, vector<16xf32>,
      scf.yield %parallel_loop3A_159#0, %parallel_loop3A_159#1, %parallel_loop3A_159#2, %parallel_loop3A_159#3 : vector<16xf32>, vector<16xf32>, vector<16xf32>, vector<16xf32>
    }
    %scan3A_126 = arith.constant 8 : i32
    %dma_wait3A_127 = arith.constant 0 : i32
    %dma_wait3A_128 = tpu.memref_slice %arg11[%dma_wait3A_127] : memref<512xi32, #tpu.memory_space<vmem>> -> memref<128xi32, #tpu.memory_space<vmem>>
    %dma_wait3A_129 = arith.constant 0 : i32
    %dma_wait3A_130 = arith.constant 0 : i32
    %dma_wait3A_131 = tpu.memref_slice %arg5[%dma_wait3A_129, %dma_wait3A_130] : memref<100000x128xf32, #tpu.memory_space<hbm>> -> memref<100000x128xf32, #tpu.memory_space<hbm>>
    tpu.wait_indirect_dma semaphore(%arg25 : memref<!tpu.dma_semaphore, #tpu.memory_space<semaphore_mem>>) src(%dma_wait3A_131 : memref<100000x128xf32, #tpu.memory_space<hbm>>) dst(%arg17 : memref<128x128xf32, #tpu.memory_space<vmem>>)
    %dma_wait3A_132 = arith.constant 0 : i32
    %dma_wait3A_133 = tpu.memref_slice %arg12[%dma_wait3A_132] : memref<512xi32, #tpu.memory_space<vmem>> -> memref<128xi32, #tpu.memory_space<vmem>>
    %dma_wait3A_134 = arith.constant 0 : i32
    %dma_wait3A_135 = arith.constant 0 : i32
    %dma_wait3A_136 = tpu.memref_slice %arg6[%dma_wait3A_134, %dma_wait3A_135] : memref<1000x128xf32, #tpu.memory_space<hbm>> -> memref<1000x128xf32, #tpu.memory_space<hbm>>
    tpu.wait_indirect_dma semaphore(%arg25 : memref<!tpu.dma_semaphore, #tpu.memory_space<semaphore_mem>>) src(%dma_wait3A_136 : memref<1000x128xf32, #tpu.memory_space<hbm>>) dst(%arg18 : memref<128x128xf32, #tpu.memory_space<vmem>>)
    %dma_wait3A_137 = arith.constant 0 : i32
    %dma_wait3A_138 = tpu.memref_slice %arg13[%dma_wait3A_137] : memref<512xi32, #tpu.memory_space<vmem>> -> memref<128xi32, #tpu.memory_space<vmem>>
    %dma_wait3A_139 = arith.constant 0 : i32
    %dma_wait3A_140 = arith.constant 0 : i32
    %dma_wait3A_141 = tpu.memref_slice %arg5[%dma_wait3A_139, %dma_wait3A_140] : memref<100000x128xf32, #tpu.memory_space<hbm>> -> memref<100000x128xf32, #tpu.memory_space<hbm>>
    tpu.wait_indirect_dma semaphore(%arg25 : memref<!tpu.dma_semaphore, #tpu.memory_space<semaphore_mem>>) src(%dma_wait3A_141 : memref<100000x128xf32, #tpu.memory_space<hbm>>) dst(%arg19 : memref<128x128xf32, #tpu.memory_space<vmem>>)
    %scan3A_142 = arith.constant 0 : i32
    %scan3A_143 = arith.constant 8 : i32
    %scan3A_144 = arith.addi %scan3A_142, %scan3A_143 : i32
    %scan3A_145 = arith.constant 1 : i32
    %scan3A_146:4 = scf.for %scan3A_152 = %scan3A_142 to %scan3A_144 step %scan3A_145 iter_args(%scan3A_153 = %scan3A_125#0, %scan3A_154 = %scan3A_125#1, %scan3A_155 = %scan3A_125#2, %scan3A_156 = %scan3A_125#3) -> (vector<16xf32>, vector<16xf32>, vector<16xf32>, vector<16xf32>)  : i32 {
      %parallel_loop3A = arith.constant 0 : i32
      %parallel_loop3A_157 = arith.constant 16 : i32
      %parallel_loop3A_158 = arith.constant 1 : i32
      %parallel_loop3A_159:5 = scf.for %parallel_loop3A_175 = %parallel_loop3A to %parallel_loop3A_157 step %parallel_loop3A_158 iter_args(%parallel_loop3A_176 = %scan3A_153, %parallel_loop3A_177 = %scan3A_154, %parallel_loop3A_178 = %scan3A_155, %parallel_loop3A_179 = %scan3A_156, %parallel_loop3A_180 = %broadcast_in_dim3A_3) -> (vector<16xf32>, vector<16xf32>, vector<16xf32>, vector<16xf32>, vector<16xf32>)  : i32 {
        %parallel_loop3A_181 = arith.constant 16 : i32
        %parallel_loop3A_182 = arith.muli %scan3A_152, %parallel_loop3A_181 : i32
        %parallel_loop3A_183 = arith.addi %parallel_loop3A_182, %parallel_loop3A_175 : i32
        %parallel_loop3A_184 = arith.index_cast %parallel_loop3A_183 : i32 to index
        %parallel_loop3A_185 = arith.constant 0 : index
        %parallel_loop3A_186 = tpu.vector_load %arg17[%parallel_loop3A_184, %parallel_loop3A_185] {strides = array<i32>} : memref<128x128xf32, #tpu.memory_space<vmem>>, vector<16xf32>,
        %parallel_loop3A_187 = arith.index_cast %parallel_loop3A_183 : i32 to index
        %parallel_loop3A_188 = arith.constant 16 : index
        %parallel_loop3A_189 = tpu.vector_load %arg17[%parallel_loop3A_187, %parallel_loop3A_188] {strides = array<i32>} : memref<128x128xf32, #tpu.memory_space<vmem>>, vector<16xf32>,
        %parallel_loop3A_190 = arith.index_cast %parallel_loop3A_183 : i32 to index
        %parallel_loop3A_191 = arith.constant 32 : index
        %parallel_loop3A_192 = tpu.vector_load %arg17[%parallel_loop3A_190, %parallel_loop3A_191] {strides = array<i32>} : memref<128x128xf32, #tpu.memory_space<vmem>>, vector<16xf32>,
        %parallel_loop3A_193 = arith.index_cast %parallel_loop3A_183 : i32 to index
        %parallel_loop3A_194 = arith.constant 48 : index
        %parallel_loop3A_195 = tpu.vector_load %arg17[%parallel_loop3A_193, %parallel_loop3A_194] {strides = array<i32>} : memref<128x128xf32, #tpu.memory_space<vmem>>, vector<16xf32>,
        %parallel_loop3A_196 = arith.index_cast %parallel_loop3A_183 : i32 to index
        %parallel_loop3A_197 = arith.constant 64 : index
        %parallel_loop3A_198 = tpu.vector_load %arg17[%parallel_loop3A_196, %parallel_loop3A_197] {strides = array<i32>} : memref<128x128xf32, #tpu.memory_space<vmem>>, vector<16xf32>,
        %parallel_loop3A_199 = arith.index_cast %parallel_loop3A_183 : i32 to index
        %parallel_loop3A_200 = arith.constant 80 : index
        %parallel_loop3A_201 = tpu.vector_load %arg17[%parallel_loop3A_199, %parallel_loop3A_200] {strides = array<i32>} : memref<128x128xf32, #tpu.memory_space<vmem>>, vector<16xf32>,
        %parallel_loop3A_202 = arith.index_cast %parallel_loop3A_183 : i32 to index
        %parallel_loop3A_203 = arith.constant 96 : index
        %parallel_loop3A_204 = tpu.vector_load %arg17[%parallel_loop3A_202, %parallel_loop3A_203] {strides = array<i32>} : memref<128x128xf32, #tpu.memory_space<vmem>>, vector<16xf32>,
        %parallel_loop3A_205 = arith.index_cast %parallel_loop3A_183 : i32 to index
        %parallel_loop3A_206 = arith.constant 112 : index
        %parallel_loop3A_207 = tpu.vector_load %arg17[%parallel_loop3A_205, %parallel_loop3A_206] {strides = array<i32>} : memref<128x128xf32, #tpu.memory_space<vmem>>, vector<16xf32>,
        %parallel_loop3A_208 = arith.index_cast %parallel_loop3A_183 : i32 to index
        %parallel_loop3A_209 = arith.constant 0 : index
        %parallel_loop3A_210 = tpu.vector_load %arg19[%parallel_loop3A_208, %parallel_loop3A_209] {strides = array<i32>} : memref<128x128xf32, #tpu.memory_space<vmem>>, vector<16xf32>,
        %parallel_loop3A_211 = arith.index_cast %parallel_loop3A_183 : i32 to index
        %parallel_loop3A_212 = arith.constant 16 : index
        %parallel_loop3A_213 = tpu.vector_load %arg19[%parallel_loop3A_211, %parallel_loop3A_212] {strides = array<i32>} : memref<128x128xf32, #tpu.memory_space<vmem>>, vector<16xf32>,
        %parallel_loop3A_214 = arith.index_cast %parallel_loop3A_183 : i32 to index
        %parallel_loop3A_215 = arith.constant 32 : index
        %parallel_loop3A_216 = tpu.vector_load %arg19[%parallel_loop3A_214, %parallel_loop3A_215] {strides = array<i32>} : memref<128x128xf32, #tpu.memory_space<vmem>>, vector<16xf32>,
        %parallel_loop3A_217 = arith.index_cast %parallel_loop3A_183 : i32 to index
        %parallel_loop3A_218 = arith.constant 48 : index
        %parallel_loop3A_219 = tpu.vector_load %arg19[%parallel_loop3A_217, %parallel_loop3A_218] {strides = array<i32>} : memref<128x128xf32, #tpu.memory_space<vmem>>, vector<16xf32>,
        %parallel_loop3A_220 = arith.index_cast %parallel_loop3A_183 : i32 to index
        %parallel_loop3A_221 = arith.constant 64 : index
        %parallel_loop3A_222 = tpu.vector_load %arg19[%parallel_loop3A_220, %parallel_loop3A_221] {strides = array<i32>} : memref<128x128xf32, #tpu.memory_space<vmem>>, vector<16xf32>,
        %parallel_loop3A_223 = arith.index_cast %parallel_loop3A_183 : i32 to index
        %parallel_loop3A_224 = arith.constant 80 : index
        %parallel_loop3A_225 = tpu.vector_load %arg19[%parallel_loop3A_223, %parallel_loop3A_224] {strides = array<i32>} : memref<128x128xf32, #tpu.memory_space<vmem>>, vector<16xf32>,
        %parallel_loop3A_226 = arith.index_cast %parallel_loop3A_183 : i32 to index
        %parallel_loop3A_227 = arith.constant 96 : index
        %parallel_loop3A_228 = tpu.vector_load %arg19[%parallel_loop3A_226, %parallel_loop3A_227] {strides = array<i32>} : memref<128x128xf32, #tpu.memory_space<vmem>>, vector<16xf32>,
        %parallel_loop3A_229 = arith.index_cast %parallel_loop3A_183 : i32 to index
        %parallel_loop3A_230 = arith.constant 112 : index
        %parallel_loop3A_231 = tpu.vector_load %arg19[%parallel_loop3A_229, %parallel_loop3A_230] {strides = array<i32>} : memref<128x128xf32, #tpu.memory_space<vmem>>, vector<16xf32>,
        %parallel_loop3A_232 = arith.index_cast %parallel_loop3A_183 : i32 to index
        %parallel_loop3A_233 = arith.constant 0 : index
        %parallel_loop3A_234 = tpu.vector_load %arg18[%parallel_loop3A_232, %parallel_loop3A_233] {strides = array<i32>} : memref<128x128xf32, #tpu.memory_space<vmem>>, vector<16xf32>,
        %parallel_loop3A_235 = arith.index_cast %parallel_loop3A_183 : i32 to index
        %parallel_loop3A_236 = arith.constant 16 : index
        %parallel_loop3A_237 = tpu.vector_load %arg18[%parallel_loop3A_235, %parallel_loop3A_236] {strides = array<i32>} : memref<128x128xf32, #tpu.memory_space<vmem>>, vector<16xf32>,
        %parallel_loop3A_238 = arith.index_cast %parallel_loop3A_183 : i32 to index
        %parallel_loop3A_239 = arith.constant 32 : index
        %parallel_loop3A_240 = tpu.vector_load %arg18[%parallel_loop3A_238, %parallel_loop3A_239] {strides = array<i32>} : memref<128x128xf32, #tpu.memory_space<vmem>>, vector<16xf32>,
        %parallel_loop3A_241 = arith.index_cast %parallel_loop3A_183 : i32 to index
        %parallel_loop3A_242 = arith.constant 48 : index
        %parallel_loop3A_243 = tpu.vector_load %arg18[%parallel_loop3A_241, %parallel_loop3A_242] {strides = array<i32>} : memref<128x128xf32, #tpu.memory_space<vmem>>, vector<16xf32>,
        %parallel_loop3A_244 = arith.index_cast %parallel_loop3A_183 : i32 to index
        %parallel_loop3A_245 = arith.constant 64 : index
        %parallel_loop3A_246 = tpu.vector_load %arg18[%parallel_loop3A_244, %parallel_loop3A_245] {strides = array<i32>} : memref<128x128xf32, #tpu.memory_space<vmem>>, vector<16xf32>,
        %parallel_loop3A_247 = arith.index_cast %parallel_loop3A_183 : i32 to index
        %parallel_loop3A_248 = arith.constant 80 : index
        %parallel_loop3A_249 = tpu.vector_load %arg18[%parallel_loop3A_247, %parallel_loop3A_248] {strides = array<i32>} : memref<128x128xf32, #tpu.memory_space<vmem>>, vector<16xf32>,
        %parallel_loop3A_250 = arith.index_cast %parallel_loop3A_183 : i32 to index
        %parallel_loop3A_251 = arith.constant 96 : index
        %parallel_loop3A_252 = tpu.vector_load %arg18[%parallel_loop3A_250, %parallel_loop3A_251] {strides = array<i32>} : memref<128x128xf32, #tpu.memory_space<vmem>>, vector<16xf32>,
        %parallel_loop3A_253 = arith.index_cast %parallel_loop3A_183 : i32 to index
        %parallel_loop3A_254 = arith.constant 112 : index
        %parallel_loop3A_255 = tpu.vector_load %arg18[%parallel_loop3A_253, %parallel_loop3A_254] {strides = array<i32>} : memref<128x128xf32, #tpu.memory_space<vmem>>, vector<16xf32>,
        %parallel_loop3A_256 = arith.mulf %parallel_loop3A_186, %parallel_loop3A_210 : vector<16xf32>
        %parallel_loop3A_257 = arith.mulf %parallel_loop3A_256, %parallel_loop3A_234 : vector<16xf32>
        %parallel_loop3A_258 = arith.mulf %parallel_loop3A_189, %parallel_loop3A_213 : vector<16xf32>
        %parallel_loop3A_259 = arith.mulf %parallel_loop3A_258, %parallel_loop3A_237 : vector<16xf32>
        %parallel_loop3A_260 = arith.mulf %parallel_loop3A_192, %parallel_loop3A_216 : vector<16xf32>
        %parallel_loop3A_261 = arith.mulf %parallel_loop3A_260, %parallel_loop3A_240 : vector<16xf32>
        %parallel_loop3A_262 = arith.mulf %parallel_loop3A_195, %parallel_loop3A_219 : vector<16xf32>
        %parallel_loop3A_263 = arith.mulf %parallel_loop3A_262, %parallel_loop3A_243 : vector<16xf32>
        %parallel_loop3A_264 = arith.mulf %parallel_loop3A_198, %parallel_loop3A_222 : vector<16xf32>
        %parallel_loop3A_265 = arith.mulf %parallel_loop3A_264, %parallel_loop3A_246 : vector<16xf32>
        %parallel_loop3A_266 = arith.mulf %parallel_loop3A_201, %parallel_loop3A_225 : vector<16xf32>
        %parallel_loop3A_267 = arith.mulf %parallel_loop3A_266, %parallel_loop3A_249 : vector<16xf32>
        %parallel_loop3A_268 = arith.mulf %parallel_loop3A_204, %parallel_loop3A_228 : vector<16xf32>
        %parallel_loop3A_269 = arith.mulf %parallel_loop3A_268, %parallel_loop3A_252 : vector<16xf32>
        %parallel_loop3A_270 = arith.mulf %parallel_loop3A_207, %parallel_loop3A_231 : vector<16xf32>
        %parallel_loop3A_271 = arith.mulf %parallel_loop3A_270, %parallel_loop3A_255 : vector<16xf32>
        %parallel_loop3A_272 = arith.addf %parallel_loop3A_257, %parallel_loop3A_259 : vector<16xf32>
        %parallel_loop3A_273 = arith.addf %parallel_loop3A_261, %parallel_loop3A_263 : vector<16xf32>
        %parallel_loop3A_274 = arith.addf %parallel_loop3A_272, %parallel_loop3A_273 : vector<16xf32>
        %parallel_loop3A_275 = arith.addf %parallel_loop3A_265, %parallel_loop3A_267 : vector<16xf32>
        %parallel_loop3A_276 = arith.addf %parallel_loop3A_269, %parallel_loop3A_271 : vector<16xf32>
        %parallel_loop3A_277 = arith.addf %parallel_loop3A_275, %parallel_loop3A_276 : vector<16xf32>
        %parallel_loop3A_278 = arith.addf %parallel_loop3A_274, %parallel_loop3A_277 : vector<16xf32>
        %parallel_loop3A_279 = arith.constant true
        %parallel_loop3A_280 = vector.broadcast %parallel_loop3A_279 : i1 to vector<16xi1>
        %parallel_loop3A_281 = tpu.scan <sum>, %parallel_loop3A_278 masked %parallel_loop3A_280 : vector<16xf32>, vector<16xi1> -> vector<16xf32>
        %parallel_loop3A_282 = vector.extract %parallel_loop3A_281[15] : f32 from vector<16xf32>
        %parallel_loop3A_283 = vector.broadcast %parallel_loop3A_175 : i32 to vector<16xi32>
        %parallel_loop3A_284 = arith.cmpi eq, %iota3A, %parallel_loop3A_283 : vector<16xi32>
        %parallel_loop3A_285 = vector.broadcast %parallel_loop3A_282 : f32 to vector<16xf32>
        %parallel_loop3A_286 = arith.select %parallel_loop3A_284, %parallel_loop3A_285, %parallel_loop3A_180 : vector<16xi1>, vector<16xf32>
        %parallel_loop3A_287 = arith.mulf %parallel_loop3A_186, %parallel_loop3A_186 : vector<16xf32>
        %parallel_loop3A_288 = arith.addf %parallel_loop3A_176, %parallel_loop3A_287 : vector<16xf32>
        %parallel_loop3A_289 = arith.mulf %parallel_loop3A_189, %parallel_loop3A_189 : vector<16xf32>
        %parallel_loop3A_290 = arith.addf %parallel_loop3A_177, %parallel_loop3A_289 : vector<16xf32>
        %parallel_loop3A_291 = arith.mulf %parallel_loop3A_192, %parallel_loop3A_192 : vector<16xf32>
        %parallel_loop3A_292 = arith.addf %parallel_loop3A_178, %parallel_loop3A_291 : vector<16xf32>
        %parallel_loop3A_293 = arith.mulf %parallel_loop3A_195, %parallel_loop3A_195 : vector<16xf32>
        %parallel_loop3A_294 = arith.addf %parallel_loop3A_179, %parallel_loop3A_293 : vector<16xf32>
        %parallel_loop3A_295 = arith.mulf %parallel_loop3A_198, %parallel_loop3A_198 : vector<16xf32>
        %parallel_loop3A_296 = arith.addf %parallel_loop3A_288, %parallel_loop3A_295 : vector<16xf32>
        %parallel_loop3A_297 = arith.mulf %parallel_loop3A_201, %parallel_loop3A_201 : vector<16xf32>
        %parallel_loop3A_298 = arith.addf %parallel_loop3A_290, %parallel_loop3A_297 : vector<16xf32>
        %parallel_loop3A_299 = arith.mulf %parallel_loop3A_204, %parallel_loop3A_204 : vector<16xf32>
        %parallel_loop3A_300 = arith.addf %parallel_loop3A_292, %parallel_loop3A_299 : vector<16xf32>
        %parallel_loop3A_301 = arith.mulf %parallel_loop3A_207, %parallel_loop3A_207 : vector<16xf32>
        %parallel_loop3A_302 = arith.addf %parallel_loop3A_294, %parallel_loop3A_301 : vector<16xf32>
        %parallel_loop3A_303 = arith.mulf %parallel_loop3A_210, %parallel_loop3A_210 : vector<16xf32>
        %parallel_loop3A_304 = arith.addf %parallel_loop3A_296, %parallel_loop3A_303 : vector<16xf32>
        %parallel_loop3A_305 = arith.mulf %parallel_loop3A_213, %parallel_loop3A_213 : vector<16xf32>
        %parallel_loop3A_306 = arith.addf %parallel_loop3A_298, %parallel_loop3A_305 : vector<16xf32>
        %parallel_loop3A_307 = arith.mulf %parallel_loop3A_216, %parallel_loop3A_216 : vector<16xf32>
        %parallel_loop3A_308 = arith.addf %parallel_loop3A_300, %parallel_loop3A_307 : vector<16xf32>
        %parallel_loop3A_309 = arith.mulf %parallel_loop3A_219, %parallel_loop3A_219 : vector<16xf32>
        %parallel_loop3A_310 = arith.addf %parallel_loop3A_302, %parallel_loop3A_309 : vector<16xf32>
        %parallel_loop3A_311 = arith.mulf %parallel_loop3A_222, %parallel_loop3A_222 : vector<16xf32>
        %parallel_loop3A_312 = arith.addf %parallel_loop3A_304, %parallel_loop3A_311 : vector<16xf32>
        %parallel_loop3A_313 = arith.mulf %parallel_loop3A_225, %parallel_loop3A_225 : vector<16xf32>
        %parallel_loop3A_314 = arith.addf %parallel_loop3A_306, %parallel_loop3A_313 : vector<16xf32>
        %parallel_loop3A_315 = arith.mulf %parallel_loop3A_228, %parallel_loop3A_228 : vector<16xf32>
        %parallel_loop3A_316 = arith.addf %parallel_loop3A_308, %parallel_loop3A_315 : vector<16xf32>
        %parallel_loop3A_317 = arith.mulf %parallel_loop3A_231, %parallel_loop3A_231 : vector<16xf32>
        %parallel_loop3A_318 = arith.addf %parallel_loop3A_310, %parallel_loop3A_317 : vector<16xf32>
        %parallel_loop3A_319 = arith.mulf %parallel_loop3A_234, %parallel_loop3A_234 : vector<16xf32>
        %parallel_loop3A_320 = arith.addf %parallel_loop3A_312, %parallel_loop3A_319 : vector<16xf32>
        %parallel_loop3A_321 = arith.mulf %parallel_loop3A_237, %parallel_loop3A_237 : vector<16xf32>
        %parallel_loop3A_322 = arith.addf %parallel_loop3A_314, %parallel_loop3A_321 : vector<16xf32>
        %parallel_loop3A_323 = arith.mulf %parallel_loop3A_240, %parallel_loop3A_240 : vector<16xf32>
        %parallel_loop3A_324 = arith.addf %parallel_loop3A_316, %parallel_loop3A_323 : vector<16xf32>
        %parallel_loop3A_325 = arith.mulf %parallel_loop3A_243, %parallel_loop3A_243 : vector<16xf32>
        %parallel_loop3A_326 = arith.addf %parallel_loop3A_318, %parallel_loop3A_325 : vector<16xf32>
        %parallel_loop3A_327 = arith.mulf %parallel_loop3A_246, %parallel_loop3A_246 : vector<16xf32>
        %parallel_loop3A_328 = arith.addf %parallel_loop3A_320, %parallel_loop3A_327 : vector<16xf32>
        %parallel_loop3A_329 = arith.mulf %parallel_loop3A_249, %parallel_loop3A_249 : vector<16xf32>
        %parallel_loop3A_330 = arith.addf %parallel_loop3A_322, %parallel_loop3A_329 : vector<16xf32>
        %parallel_loop3A_331 = arith.mulf %parallel_loop3A_252, %parallel_loop3A_252 : vector<16xf32>
        %parallel_loop3A_332 = arith.addf %parallel_loop3A_324, %parallel_loop3A_331 : vector<16xf32>
        %parallel_loop3A_333 = arith.mulf %parallel_loop3A_255, %parallel_loop3A_255 : vector<16xf32>
        %parallel_loop3A_334 = arith.addf %parallel_loop3A_326, %parallel_loop3A_333 : vector<16xf32>
        scf.yield %parallel_loop3A_328, %parallel_loop3A_330, %parallel_loop3A_332, %parallel_loop3A_334, %parallel_loop3A_286 : vector<16xf32>, vector<16xf32>, vector<16xf32>, vector<16xf32>, vector<16xf32>
      } {sc.loop_unroll_factor = 2 : i64, sc.parallel_access}
      %mul3A_160 = arith.mulf %parallel_loop3A_159#4, %get3A_4 : vector<16xf32>
      %add3A_161 = arith.addf %mul3A_160, %get3A_6 : vector<16xf32>
      %neg3A = arith.constant 0.000000e+00 : f32
      %neg3A_162 = vector.broadcast %neg3A : f32 to vector<16xf32>
      %neg3A_163 = arith.subf %neg3A_162, %add3A_161 : vector<16xf32>
      %exp3A = math.exp %neg3A_163 : vector<16xf32>
      %add3A_164 = arith.constant 1.000000e+00 : f32
      %add3A_165 = vector.broadcast %add3A_164 : f32 to vector<16xf32>
      %add3A_166 = arith.addf %add3A_165, %exp3A : vector<16xf32>
      %div3A = arith.constant 1.000000e+00 : f32
      %div3A_167 = vector.broadcast %div3A : f32 to vector<16xf32>
      %div3A_168 = arith.divf %div3A_167, %add3A_166 : vector<16xf32>
      %mul3A_169 = arith.constant 16 : i32
      %mul3A_170 = arith.muli %scan3A_152, %mul3A_169 : i32
      %add3A_171 = arith.constant 384 : i32
      %add3A_172 = arith.addi %add3A_171, %mul3A_170 : i32
      %swap3A_173 = arith.index_cast %add3A_172 : i32 to index
      %swap3A_174 = tpu.vector_load %arg20[%swap3A_173] {strides = array<i32>} : memref<512xf32, #tpu.memory_space<vmem>>, vector<16xf32>,
      tpu.vector_store %arg20[%swap3A_173], %div3A_168 {strides = array<i32>} : memref<512xf32, #tpu.memory_space<vmem>>, vector<16xf32>,
      scf.yield %parallel_loop3A_159#0, %parallel_loop3A_159#1, %parallel_loop3A_159#2, %parallel_loop3A_159#3 : vector<16xf32>, vector<16xf32>, vector<16xf32>, vector<16xf32>
    }
    %scan3A_147 = arith.constant 8 : i32
    %add3A_148 = arith.addf %scan3A_146#0, %scan3A_146#1 : vector<16xf32>
    %add3A_149 = arith.addf %scan3A_146#2, %scan3A_146#3 : vector<16xf32>
    %add3A_150 = arith.addf %add3A_148, %add3A_149 : vector<16xf32>
    %swap3A = arith.constant 0 : index
    %swap3A_151 = tpu.vector_load %arg23[%swap3A] {strides = array<i32>} : memref<16xf32, #tpu.memory_space<vmem>>, vector<16xf32>,
    tpu.vector_store %arg23[%swap3A], %add3A_150 {strides = array<i32>} : memref<16xf32, #tpu.memory_space<vmem>>, vector<16xf32>,
    "tpu.region"() ({
      %run_scoped3A = tpu.sem_alloc : memref<!tpu.dma_semaphore, #tpu.memory_space<semaphore_mem>>
      %dma_start3A_152 = tpu.memref_slice %arg9[%mul3A_2] : memref<16384xf32, #tpu.memory_space<hbm>> -> memref<512xf32, #tpu.memory_space<hbm>>
      %dma_start3A_153 = tpu.memref_slice %arg9[%mul3A_2] : memref<16384xf32, #tpu.memory_space<hbm>> -> memref<512xf32, #tpu.memory_space<hbm>>
      tpu.enqueue_dma source(%arg20 : memref<512xf32, #tpu.memory_space<vmem>>) target(%dma_start3A_153 : memref<512xf32, #tpu.memory_space<hbm>>) target_semaphore(%run_scoped3A : memref<!tpu.dma_semaphore, #tpu.memory_space<semaphore_mem>>)
      %dma_wait3A_154 = tpu.memref_slice %arg9[%mul3A_2] : memref<16384xf32, #tpu.memory_space<hbm>> -> memref<512xf32, #tpu.memory_space<hbm>>
      %dma_wait3A_155 = tpu.memref_slice %arg9[%mul3A_2] : memref<16384xf32, #tpu.memory_space<hbm>> -> memref<512xf32, #tpu.memory_space<hbm>>
      tpu.wait_dma2 semaphore(%run_scoped3A : memref<!tpu.dma_semaphore, #tpu.memory_space<semaphore_mem>>) src(%arg20 : memref<512xf32, #tpu.memory_space<vmem>>) dst(%dma_wait3A_155 : memref<512xf32, #tpu.memory_space<hbm>>)
      tpu.yield
    }) : () -> ()
    "tpu.region"() ({
      %run_scoped3A = tpu.sem_alloc : memref<!tpu.dma_semaphore, #tpu.memory_space<semaphore_mem>>
      %dma_start3A_152 = arith.constant 0 : i32
      %dma_start3A_153 = tpu.memref_slice %arg10[%add3A, %dma_start3A_152] : memref<32x16xf32, #tpu.memory_space<hbm>> -> memref<1x16xf32, #tpu.memory_space<hbm>>
      %dma_start3A_154 = tpu.memref_squeeze %dma_start3A_153 : memref<1x16xf32, #tpu.memory_space<hbm>> -> memref<16xf32, #tpu.memory_space<hbm>>
      %dma_start3A_155 = arith.constant 0 : i32
      %dma_start3A_156 = tpu.memref_slice %arg10[%add3A, %dma_start3A_155] : memref<32x16xf32, #tpu.memory_space<hbm>> -> memref<1x16xf32, #tpu.memory_space<hbm>>
      %dma_start3A_157 = tpu.memref_squeeze %dma_start3A_156 : memref<1x16xf32, #tpu.memory_space<hbm>> -> memref<16xf32, #tpu.memory_space<hbm>>
      tpu.enqueue_dma source(%arg23 : memref<16xf32, #tpu.memory_space<vmem>>) target(%dma_start3A_157 : memref<16xf32, #tpu.memory_space<hbm>>) target_semaphore(%run_scoped3A : memref<!tpu.dma_semaphore, #tpu.memory_space<semaphore_mem>>)
      %dma_wait3A_158 = arith.constant 0 : i32
      %dma_wait3A_159 = tpu.memref_slice %arg10[%add3A, %dma_wait3A_158] : memref<32x16xf32, #tpu.memory_space<hbm>> -> memref<1x16xf32, #tpu.memory_space<hbm>>
      %dma_wait3A_160 = tpu.memref_squeeze %dma_wait3A_159 : memref<1x16xf32, #tpu.memory_space<hbm>> -> memref<16xf32, #tpu.memory_space<hbm>>
      %dma_wait3A_161 = arith.constant 0 : i32
      %dma_wait3A_162 = tpu.memref_slice %arg10[%add3A, %dma_wait3A_161] : memref<32x16xf32, #tpu.memory_space<hbm>> -> memref<1x16xf32, #tpu.memory_space<hbm>>
      %dma_wait3A_163 = tpu.memref_squeeze %dma_wait3A_162 : memref<1x16xf32, #tpu.memory_space<hbm>> -> memref<16xf32, #tpu.memory_space<hbm>>
      tpu.wait_dma2 semaphore(%run_scoped3A : memref<!tpu.dma_semaphore, #tpu.memory_space<semaphore_mem>>) src(%arg23 : memref<16xf32, #tpu.memory_space<vmem>>) dst(%dma_wait3A_163 : memref<16xf32, #tpu.memory_space<hbm>>)
      tpu.yield
    }) : () -> ()
    return
  }
}

module attributes {stable_mosaic.version = 14 : i64} {
  func.func @_finish_body(%arg0: memref<32x16xf32, #tpu.memory_space<vmem>>, %arg1: memref<1x1xf32, #tpu.memory_space<smem>>) attributes {dimension_semantics = [], scalar_prefetch = 0 : i64, scratch_operands = 0 : i64, tpu.core_type = #tpu.core_type<tc>} {
    %get3A = arith.constant 0 : index
    %get3A_0 = arith.constant 0 : index
    %get3A_1 = vector.load %arg0[%get3A, %get3A_0] : memref<32x16xf32, #tpu.memory_space<vmem>>, vector<32x16xf32>
    %reduce_sum3A = vector.shape_cast %get3A_1 : vector<32x16xf32> to vector<1x32x16xf32>
    %reduce_sum3A_2 = arith.constant dense<0.000000e+00> : vector<1xf32>
    %reduce_sum3A_3 = vector.multi_reduction <add>, %reduce_sum3A, %reduce_sum3A_2 [1, 2] : vector<1x32x16xf32> to vector<1xf32>
    %reduce_sum3A_4 = vector.shape_cast %reduce_sum3A_3 : vector<1xf32> to vector<1x1x1xf32>
    %reduce_sum3A_5 = vector.extract %reduce_sum3A_4[0, 0, 0] : f32 from vector<1x1x1xf32>
    %mul3A = arith.constant 2.91038305E-11 : f32
    %mul3A_6 = arith.mulf %reduce_sum3A_5, %mul3A : f32
    %swap3A = arith.constant 0 : index
    %swap3A_7 = arith.constant 0 : index
    %swap3A_8 = memref.load %arg1[%swap3A, %swap3A_7] : memref<1x1xf32, #tpu.memory_space<smem>>
    memref.store %mul3A_6, %arg1[%swap3A, %swap3A_7] : memref<1x1xf32, #tpu.memory_space<smem>>
    return
  }
}

</mosaic_0001>

<sc_bundles>
// kernel: kernel.4.cloned.1.call-start
scs
__scs_entry_jumppad:
0x0: {  	(pc) =	sbr.rel $0x88, $3  }
0x1: {  	(tag) =	ssettag $0x0;
	lr =	simm.s32 $0x1  }
0x2: {  	[smem:$0x3F9C] =	sst lr;
	_ =	strace $0xD0000000  }
0x3: {  	_ = 	snop  }
0x4: {  	_ = 	snop  }
0x5: {  	_ = 	snop  }
0x6: {  	_ = 	snop  }
0x7: {  	_ = 	snop  }
__scs_overlays_trampoline_lowered:
0x8: {  	[smem:$0x3FAB] =	sst s0  }
0x9: {  	[smem:$0x3FAC] =	sst s1  }
0xa: {  	[smem:$0x3FAD] =	sst s2  }
0xb: {  	[smem:$0x3FAE] =	sst s3  }
0xc: {  	[smem:$0x3FAF] =	sst s4  }
0xd: {  	[smem:$0x3FB0] =	sst s5  }
0xe: {  	[smem:$0x3FB1] =	sst s6  }
0xf: {  	[smem:$0x3FB2] =	sst s7  }
0x10: {  	[smem:$0x3FB3] =	sst s8  }
0x11: {  	[smem:$0x3FB4] =	sst s9;
	s0 =	simm.s32 @!p0 $0x0  }
0x12: {  	s1 =	sld [smem:$0x3F9A];
	s0 =	simm.s32 @p0 $0x1  }
0x13: {  	[smem:$0x3FB5] =	sst s0;
	s0 =	simm.s32 @!p1 $0x0  }
0x14: {  	s2 =	sld [smem:$0x3F99];
	s0 =	simm.s32 @p1 $0x1  }
0x15: {  	[smem:$0x3FB6] =	sst s0;
	s0 =	simm.s32 @!p2 $0x0  }
0x16: {  	s3 =	sld [smem:$0x3FDB];
	s0 =	simm.s32 @p2 $0x1  }
0x17: {  	s4 =	simm.s32 $0x1BF5;
	[smem:$0x3FB8] =	sst s0  }
0x18: {  	s0 =	sld [smem:$0x3F9B];
	_ =	swait.ge [sflag:s4], $0x0  }
0x19: {  	s7 =	sld [smem:$0x3F9C]  }
0x1a: {  	s8 =	sadd.s32 $0xFFFFE003, lr  }
0x1b: {  	s9 =	sadd.s32 $0xFFFFFEF7, lr;
	s5 =	simm.s32 $0xFFFFFFFF;
	p2 =	slt.u32 s8, $0xFFFFF086  }
0x1c: {  	p1 =	slt.u32 s9, $0xF7A;
	s5 =	simm.s32 @!p2 $0x0  }
0x1d: {  	s5 =	simm.s32 @p1 $0x1;
	p0 =	seq.s32 s7, s2  }
0x1e: {  	s7 =	smul.u32 @!p0 $0xF7A, s2;
	p2 =	seq.s32 @!p0 s5, $0x0  }
0x1f: {  	s9 =	smul.u32 $0xF7A, s1;
	s8 =	simm.s32 @!p0 $0x1BF5;
	p2 =	por !p2, p0  }
0x20: {  	[sflag:s8] =	ssyncset.s32 @!p0 $0xFFFFF086;
	s6 =	sadd.s32 @!p0 s3, s7;
	s7 =	simm.s32 @!p0 $0x108  }
0x21: {  	s3 =	sadd.s32 s3, s9;
	s6 =	sadd.s32 @!p0 $0x88, s6;
	s7 =	simm.s32 @p2 $0x1082  }
0x22: {  	[simem:s7], [sflag:s8] =	dma.local @!p0 [hbm:s6], $0xF7A  }
0x23: {  	s9 =	sor.u32 $0xD0000000, s2;
	s6 =	simm.s32 $0x108;
	_ =	swait.ge @!p0 [sflag:s8], $0x0  }
0x24: {  	s3 =	sadd.s32 $0x88, s3;
	s6 =	simm.s32 @!p1 $0x1082;
	[sflag:s4] =	ssyncset.s32 $0xFFFFF086  }
0x25: {  	[simem:s6], [sflag:s4] =	dma.local [hbm:s3], $0xF7A  }
0x26: {  	[smem:$0x3F9C] =	sst s1;
	(tag) =	ssettag s2;
	_ =	strace s9  }
0x27: {  	s1 =	sld [smem:$0x3FAC]  }
0x28: {  	s2 =	sld [smem:$0x3FAD]  }
0x29: {  	s4 =	sld [smem:$0x3FAF]  }
0x2a: {  	p0 =	seq.s32 s5, $0x0;
	s5 =	sld [smem:$0x3FB0]  }
0x2b: {  	s6 =	sld [smem:$0x3FB1]  }
0x2c: {  	s7 =	sld [smem:$0x3FB2]  }
0x2d: {  	s3 =	simm.s32 $0x108;
	s8 =	sld [smem:$0x3FB3]  }
0x2e: {  	s3 =	simm.s32 @!p0 $0x1082;
	s9 =	sld [smem:$0x3FB4]  }
0x2f: {  	lr =	sadd.s32 s0, s3;
	s0 =	sld [smem:$0x3FAB]  }
0x30: {  	s3 =	sld [smem:$0x3FAE]  }
0x31: {  	[smem:$0x3FB7] =	sst s10  }
0x32: {  	s10 =	sld [smem:$0x3FB5];
	_ =	sdelay $0x3  }
0x33: {  	p0 =	seq.s32 s10, $0x1;
	s10 =	sld [smem:$0x3FB7];
	_ =	sdelay $0x3  }
0x34: {  	[smem:$0x3FB7] =	sst s10  }
0x35: {  	s10 =	sld [smem:$0x3FB6];
	_ =	sdelay $0x3  }
0x36: {  	p1 =	seq.s32 s10, $0x1;
	s10 =	sld [smem:$0x3FB7];
	_ =	sdelay $0x3  }
0x37: {  	[smem:$0x3FB7] =	sst s10  }
0x38: {  	s10 =	sld [smem:$0x3FB8]  }
0x39: {  	_ = 	snop;
	(pc) =	sbr.ind lr, $3  }
0x3a: {  	_ = 	snop  }
0x3b: {  	_ = 	snop  }
0x3c: {  	p2 =	seq.s32 s10, $0x1;
	s10 =	sld [smem:$0x3FB7]  }
0x3d: {  	_ =	shalt  }
0x3e: {  	_ =	shalt  }
0x3f: {  	_ =	shalt  }
0x40: {  	_ =	shalt  }
0x41: {  	_ =	shalt  }
0x42: {  	_ =	shalt  }
0x43: {  	_ =	shalt  }
0x44: {  	_ =	shalt  }
0x45: {  	_ =	shalt  }
0x46: {  	_ =	shalt  }
0x47: {  	_ =	shalt  }
0x48: {  	_ =	shalt  }
0x49: {  	_ =	shalt  }
0x4a: {  	_ =	shalt  }
0x4b: {  	_ =	shalt  }
0x4c: {  	_ =	shalt  }
0x4d: {  	_ =	shalt  }
0x4e: {  	_ =	shalt  }
0x4f: {  	_ =	shalt  }
0x50: {  	_ =	shalt  }
0x51: {  	_ =	shalt  }
0x52: {  	_ =	shalt  }
0x53: {  	_ =	shalt  }
0x54: {  	_ =	shalt  }
0x55: {  	_ =	shalt  }
0x56: {  	_ =	shalt  }
0x57: {  	_ =	shalt  }
0x58: {  	_ =	shalt  }
0x59: {  	_ =	shalt  }
0x5a: {  	_ =	shalt  }
0x5b: {  	_ =	shalt  }
0x5c: {  	_ =	shalt  }
0x5d: {  	_ =	shalt  }
0x5e: {  	_ =	shalt  }
0x5f: {  	_ =	shalt  }
0x60: {  	_ =	shalt  }
0x61: {  	_ =	shalt  }
0x62: {  	_ =	shalt  }
0x63: {  	_ =	shalt  }
0x64: {  	_ =	shalt  }
0x65: {  	_ =	shalt  }
0x66: {  	_ =	shalt  }
0x67: {  	_ =	shalt  }
0x68: {  	_ =	shalt  }
0x69: {  	_ =	shalt  }
0x6a: {  	_ =	shalt  }
0x6b: {  	_ =	shalt  }
0x6c: {  	_ =	shalt  }
0x6d: {  	_ =	shalt  }
0x6e: {  	_ =	shalt  }
0x6f: {  	_ =	shalt  }
0x70: {  	_ =	shalt  }
0x71: {  	_ =	shalt  }
0x72: {  	_ =	shalt  }
0x73: {  	_ =	shalt  }
0x74: {  	_ =	shalt  }
0x75: {  	_ =	shalt  }
0x76: {  	_ =	shalt  }
0x77: {  	_ =	shalt  }
0x78: {  	_ =	shalt  }
0x79: {  	_ =	shalt  }
0x7a: {  	_ =	shalt  }
0x7b: {  	_ =	shalt  }
0x7c: {  	_ =	shalt  }
0x7d: {  	_ =	shalt  }
0x7e: {  	_ =	shalt  }
0x7f: {  	_ =	shalt  }
0x80: {  	_ =	shalt  }
0x81: {  	_ =	shalt  }
0x82: {  	_ =	shalt  }
0x83: {  	_ =	shalt  }
0x84: {  	_ =	shalt  }
0x85: {  	_ =	shalt  }
0x86: {  	_ =	shalt  }
0x87: {  	_ =	shalt  }
.Lfunc_end0:
.L_simem_size_0:
called_computation_lowered:
.L_overlay_start_0:
0x88: {  	s2 =	sld [smem:$0x3FD9]  }
0x89: {  	s3 =	sld [smem:$0x3FFE];
	_ =	sdelay $0x1  }
0x8a: {  	s1 =	srdreg.scid  }
0x8b: {  	s0 =	sand.u32 $0x1, s1  }
0x8c: {  	s14 =	sshll.u32 s0, $0xA;
	s2 =	sadd.s32 s3, s2  }
0x8d: {  	s2 =	sadd.s32 s2, s14  }
0x8e: {  	[smem:$0x3FC3] =	sst s2  }
0x8f: {  	_ = 	snop  }
0x90: {  	s2 =	sld [smem:$0x3FD0];
	_ =	sdelay $0x1  }
0x91: {  	s15 =	sld [smem:$0x3FC8]  }
0x92: {  	s5 =	simm.s32 $0xA;
	s6 =	simm.s32 $0x10;
	s4 =	sld [smem:$0x3FC7]  }
0x93: {  	[smem:s6], [sflag:s5] =	dma.local [hbm:s2], $0x1  }
0x94: {  	_ =	swait.eq [sflag:s5], $0x1  }
0x95: {  	[sflag:s5] =	ssyncset.done $0x0  }
0x96: {  	s16 =	sld [smem:$0x10];
	[sflag:s5] =	ssyncadd.s32 $0xFFFFFFFF  }
0x97: {  	s17 =	sld [smem:$0x11];
	(tm) =	ssettm $0x1  }
0x98: {  	s18 =	sld [smem:$0x3FFB];
	_ =	sdelay $0x3  }
0x99: {  	_ =	strace s18  }
0x9a: {  	s6 =	sld [smem:$0x3FFC];
	_ =	sdelay $0x3  }
0x9b: {  	_ =	strace s6  }
0x9c: {  	s6 =	sld [smem:$0x3FFD];
	_ =	sdelay $0x3  }
0x9d: {  	_ =	strace s6  }
0x9e: {  	_ =	strace $0x8FFFFFFF  }
0x9f: {  	s19 =	sld [smem:$0x3FDB];
	_ =	sdelay $0x1  }
0xa0: {  	s7 =	simm.s32 $_scs_section_size  }
0xa1: {  	s8 =	simm.s32 $_size__tile_overlayer_lowered;
	s9 =	simm.s32 $_tile_overlayer_lowered  }
0xa2: {  	s22 =	simm.s32 $0x1BFF;
	s21 =	sshll.u32 s9, $0x1;
	s6 =	sadd.s32 s7, s19  }
0xa3: {  	s10 =	simm.s32 $0x0;
	s20 =	sshll.u32 s8, $0x1;
	s8 =	sadd.s32 s21, s6  }
0xa4: {  	[timem:s10], [sflag:s22] =	dma.local [hbm:s8], s20  }
0xa5: {  	_ =	swait.ge [sflag:s22], s20  }
0xa6: {  	s7 =	ssub.s32 $0x0, s20;
	[sflag:s22] =	ssyncset.done $0x0  }
0xa7: {  	[sflag:s22] =	ssyncadd.s32 s7;
	_ =	sdelay $0x1  }
0xa8: {  	s23 =	simm.s32 $0x1B8B  }
0xa9: {  	_ =	swait.ge [sflag:s23], $0x1  }
0xaa: {  	[sflag:s23] =	ssyncset.done $0x0  }
0xab: {  	s25 =	simm.s32 $0x1B8E;
	s24 =	sld [smem:$0x3FFE];
	[sflag:s23] =	ssyncadd.s32 $0xFFFFFFFF  }
0xac: {  	s26 =	simm.s32 $execute0_lowered;
	[smem:$0x3FD2] =	sst s25  }
0xad: {  	s8 =	sshll.u32 s26, $0x1;
	_ =	strace $0x80000046;
	[dreg:$0x1] =	wrdreg $0xFFFFFFFF  }
0xae: {  	s28 =	simm.s32 $_size_execute0_lowered;
	s6 =	sadd.s32 s6, s8;
	[dreg:$0x0] =	wrdreg $0x0  }
0xaf: {  	s8 =	sshll.u32 s28, $0x1;
	[dreg:$0x2] =	wrdreg s6  }
0xb0: {  	[dreg:$0x3] =	wrdreg s8  }
0xb1: {  	[dreg:$0x4] =	wrdreg $0xC0  }
0xb2: {  	_ =	task [dreg:s10], $0x5FFFF  }
0xb3: {  	[dreg:$0x1] =	wrdreg $0xFFFFFFFF  }
0xb4: {  	[dreg:$0x0] =	wrdreg $0x60  }
0xb5: {  	[dreg:$0x2] =	wrdreg s24  }
0xb6: {  	[dreg:$0x3] =	wrdreg s15  }
0xb7: {  	[dreg:$0x4] =	wrdreg s4  }
0xb8: {  	[dreg:$0x5] =	wrdreg s17  }
0xb9: {  	[dreg:$0x6] =	wrdreg s16  }
0xba: {  	[dreg:$0x7] =	wrdreg $0x9  }
0xbb: {  	_ =	task.clear_ibuf [dreg:s10], $0x8FFFF;
	_ =	strace $0x90000046  }
0xbc: {  	s29 =	simm.s32 $0x9;
	_ =	strace $0x80000048  }
0xbd: {  	_ =	swait.ge [sflag:s29], $0x1  }
0xbe: {  	[sflag:s29] =	ssyncadd.s32 $0xFFFFFFFF  }
0xbf: {  	_ =	strace $0x90000048  }
0xc0: {  	_ =	sfence  }
0xc1: {  	s30 =	sld [smem:$0x0];
	_ =	sdelay $0x2  }
0xc2: {  	s31 =	sshll.u32 s1, $0xD;
	s1 =	sshrl.u32 s1, $0x2  }
0xc3: {  	s3 =	sand.u32 $0x4000, s31;
	s1 =	sadd.s32 s1, s30  }
0xc4: {  	s0 =	sor.u32 s3, s0;
	s1 =	sshll.u32 s1, $0x11  }
0xc5: {  	s0 =	sor.u32 s1, s0  }
0xc6: {  	s0 =	sadd.s32 $0x8F2B, s0  }
0xc7: {  	[sflag:s0] =	ssyncadd.remote.s32 $0x1  }
0xc8: {  	_ =	sfence.sel $0xFFFF  }
0xc9: {  	[dreg:$0x0] =	wrdreg $0xFFFFFFFF;
	(pc) =	sbr.abs _section_cstart, $3  }
0xca: {  	[dreg:$0x1] =	wrdreg $0xFFFFFFFF  }
0xcb: {  	_ =	task.clear_ibuf [dreg:s10], $0x2FFFF;
	_ =	strace $0x9FFFFFFF  }
0xcc: {  	(tm) =	ssettm $0x7FFFFFFF  }
0xcd: {  	_ =	shalt  }
tec
execute0_lowered:
.L_overlay_start_1:
0x0: {  	(tag) =	ssettag $0x1  }
0x1: {  	s0 =	rddreg [dreg:$0x0]  }
0x2: {  	s1 =	rddreg [dreg:$0x1]  }
0x3: {  	s2 =	rddreg [dreg:$0x2];
	s3 =	srdreg.scid  }
0x4: {  	s5 =	stileid.u32;
	s4 =	rddreg [dreg:$0x4]  }
0x5: {  	s13 =	simm.s32 $0x3;
	s18 =	simm.s32 $0x80;
	s20 =	simm.s32 $0x4600  }
0x6: {  	s21 =	simm.s32 $0x8600;
	s22 =	simm.s32 $0x1;
	s23 =	simm.s32 $0xC600  }
0x7: {  	s25 =	simm.s32 $0x10600;
	s28 =	simm.s32 $0x14600;
	s29 =	simm.s32 $0x2  }
0x8: {  	s3 =	sand.u32 $0x1, s3;
	s6 =	sshll.u32 s5, $0x1;
	s5 =	simm.s32 $0x0  }
0x9: {  	s26 =	simm.s32 $0x0;
	s7 =	sor.u32 s3, s6;
	[smem:$0x7FF] =	sst s5  }
0xa: {  	s3 =	ssub.s32 $0x2, s3;
	s6 =	sadd.s32 $0x2400, s0;
	s10 =	sshll.u32 s7, $0x6  }
0xb: {  	_ =	strace $0x80000047;
	s7 =	sshll.u32 s7, $0x4;
	s8 =	sshrl.u32 s3, $0x1  }
0xc: {  	s9 =	sadd.s32 s10, s0;
	s0 =	sadd.s32 s7, s0;
	s3 =	ssub.s32 s3, s8  }
0xd: {  	s10 =	sadd.s32 s4, s10;
	s7 =	sadd.s32 $0x1C00, s9;
	s8 =	sadd.s32 $0x1400, s9  }
0xe: {  	v0 =	vlaneseq.u32;
	s9 =	sadd.s32 $0xC00, s9;
	s11 =	sadd.s32 $0x2600, s0;
	s12 =	smax.u32 s3, $0x1  }
.LBB2_1:
0xf: {  	[tilespmem:s5], [sflag:$0x3] =	stream.linear.gather [hbm4b:s7+s5], $0x200, $0x38;
	[tilespmem:$0x18980] =	vst v63  }
0x10: {  	_ =	swait.ge [sflag:s13], $0x200  }
0x11: {  	[sflag:s13] =	ssyncset.done $0x0  }
0x12: {  	s3 =	simm.s32 $0x200;
	[sflag:s13] =	ssyncadd.s32 $0xFFFFFE00  }
0x13: {  	[tilespmem:s3], [sflag:$0x3] =	stream.linear.gather [hbm4b:s8+s5], $0x200, $0x38;
	[tilespmem:$0x18980] =	vst v63  }
0x14: {  	_ =	swait.ge [sflag:s13], $0x200  }
0x15: {  	[sflag:s13] =	ssyncset.done $0x0  }
0x16: {  	s4 =	simm.s32 $0x400;
	[sflag:s13] =	ssyncadd.s32 $0xFFFFFE00  }
0x17: {  	[tilespmem:s4], [sflag:$0x3] =	stream.linear.gather [hbm4b:s9+s5], $0x200, $0x38;
	[tilespmem:$0x18980] =	vst v63  }
0x18: {  	_ =	swait.ge [sflag:s13], $0x200  }
0x19: {  	[sflag:s13] =	ssyncset.done $0x0  }
0x1a: {  	s0 =	simm.s32 $0x18800;
	[sflag:s13] =	ssyncadd.s32 $0xFFFFFE00  }
0x1b: {  	[tilespmem:s0], [sflag:$0x3] =	stream.linear.gather [hbm4b:s6+s5], $0x80, $0x38;
	[tilespmem:$0x18980] =	vst v63  }
0x1c: {  	_ =	swait.ge [sflag:s13], $0x80  }
0x1d: {  	[sflag:s13] =	ssyncset.done $0x0  }
0x1e: {  	[sflag:s13] =	ssyncadd.s32 $0xFFFFFF80  }
0x1f: {  	s14 =	simm.s32 $0x18880;
	s17 =	rddreg [dreg:$0x3]  }
0x20: {  	[tilespmem:s14], [sflag:$0x3] =	stream.linear.gather [hbm4b:s17+s5], $0x80, $0x38;
	[tilespmem:$0x18980] =	vst v63  }
0x21: {  	_ =	swait.ge [sflag:s13], $0x80  }
0x22: {  	[sflag:s13] =	ssyncset.done $0x0  }
0x23: {  	[sflag:s13] =	ssyncadd.s32 $0xFFFFFF80  }
0x24: {  	s19 =	simm.s32 $0x600;
	v1 =	vld [tilespmem:$0x18800]  }
0x25: {  	v2 =	vld [tilespmem:$0x18880];
	[tilespmem:s19], [sflag:$0x1] =	stream.indirect.gather [hbm4b:s1+s18], $0x80, s5, s18, $0xb8  }
0x26: {  	_ = 	snop  }
0x27: {  	[tilespmem:s20], [sflag:$0x1] =	stream.indirect.gather [hbm4b:s2+s18], $0x80, s3, s18, $0xb8;
	[tilespmem:$0x18980] =	vst v63  }
0x28: {  	_ = 	snop  }
0x29: {  	[tilespmem:s21], [sflag:$0x1] =	stream.indirect.gather [hbm4b:s1+s18], $0x80, s4, s18, $0xb8;
	[tilespmem:$0x18980] =	vst v63  }
0x2a: {  	_ =	swait.ge [sflag:s22], $0x4000  }
0x2b: {  	[sflag:s22] =	ssyncset.done $0x0  }
0x2c: {  	[sflag:s22] =	ssyncadd.s32 $0xFFFFC000  }
0x2d: {  	_ =	swait.ge [sflag:s22], $0x4000  }
0x2e: {  	[sflag:s22] =	ssyncset.done $0x0  }
0x2f: {  	[sflag:s22] =	ssyncadd.s32 $0xFFFFC000  }
0x30: {  	_ =	swait.ge [sflag:s22], $0x4000  }
0x31: {  	[sflag:s22] =	ssyncset.done $0x0  }
0x32: {  	[sflag:s22] =	ssyncadd.s32 $0xFFFFC000  }
0x33: {  	[tilespmem:s23], [sflag:$0x2] =	stream.indirect.gather [hbm4b:s1+s18], $0x80, s18, s18, $0xb8;
	[tilespmem:$0x18980] =	vst v63  }
0x34: {  	s24 =	simm.s32 $0x280;
	s31 =	simm.s32 $0x480;
	s30 =	simm.s32 $0x8680  }
0x35: {  	[tilespmem:s25], [sflag:$0x2] =	stream.indirect.gather [hbm4b:s2+s18], $0x80, s24, s18, $0xb8;
	[tilespmem:$0x18980] =	vst v63  }
0x36: {  	v13 =	vimm.f32 $0.0e+00;
	s0 =	simm.s32 $0x0;
	s14 =	simm.s32 $0x680;
	s24 =	simm.s32 $0x4680  }
0x37: {  	v10 =	vimm.f32 $0.0e+00;
	v8 =	vimm.f32 $0.0e+00;
	v6 =	vimm.f32 $0.0e+00;
	[tilespmem:s28], [sflag:$0x2] =	stream.indirect.gather [hbm4b:s1+s18], $0x80, s31, s18, $0xb8;
	[tilespmem:$0x18980] =	vst v63  }
.LBB2_2:
0x38: {  	v3 =	vld [tilespmem:s30+$0x70]  }
0x39: {  	v15 =	vld [tilespmem:s14+$0x30]  }
0x3a: {  	v4 =	vld [tilespmem:s14+$0x40]  }
0x3b: {  	v14 =	vld [tilespmem:s24+$0xFFFFFF90]  }
0x3c: {  	v16 =	vld [tilespmem:s30+$0xFFFFFF90]  }
0x3d: {  	v18 =	vld [tilespmem:s24+$0xFFFFFFA0]  }
0x3e: {  	v20 =	vld [tilespmem:s14+$0xFFFFFFB0]  }
0x3f: {  	v19 =	vld [tilespmem:s14+$0xFFFFFFC0]  }
0x40: {  	v5 =	vld [tilespmem:s14+$0xFFFFFFE0]  }
0x41: {  	v22 =	vld [tilespmem:s14+$0xFFFFFFF0]  }
0x42: {  	v9 =	vld [tilespmem:s30+$0xFFFFFF80]  }
0x43: {  	v23 =	vld [tilespmem:s14+$0xFFFFFF80]  }
0x44: {  	v24 =	vld [tilespmem:s30+$0xFFFFFFB0]  }
0x45: {  	v25 =	vld [tilespmem:s30+$0xFFFFFFD0]  }
0x46: {  	v26 =	vld [tilespmem:s30+$0xFFFFFFE0]  }
0x47: {  	v11 =	vld [tilespmem:s30+$0xFFFFFFF0]  }
0x48: {  	v30 =	vld [tilespmem:s30+$0xFFFFFFC0];
	v29 =	vmul.f32 v5, v5  }
0x49: {  	v21 =	vld [tilespmem:s14+$0xFFFFFFD0];
	v31 =	vmul.f32 v20, v20;
	v32 =	vmul.f32 v9, v9  }
0x4a: {  	v36 =	vld [tilespmem:s30+$0xFFFFFFA0];
	v34 =	vmul.f32 v24, v24;
	v35 =	vmul.f32 v25, v25  }
0x4b: {  	v17 =	vld [tilespmem:s14+$0xFFFFFF90];
	v37 =	vmul.f32 v26, v5;
	v38 =	vmul.f32 v23, v23  }
0x4c: {  	v12 =	vld [tilespmem:s14+$0xFFFFFFA0];
	v39 =	vmul.f32 v11, v11;
	v23 =	vmul.f32 v9, v23  }
0x4d: {  	v27 =	vld [tilespmem:s24+$0xFFFFFFF0];
	v9 =	vmul.f32 v11, v22;
	v40 =	vmul.f32 v30, v30  }
0x4e: {  	v7 =	vld [tilespmem:s30+$0x30];
	v30 =	vmul.f32 v30, v19;
	v11 =	vmul.f32 v25, v21  }
0x4f: {  	v42 =	vld [tilespmem:s24+$0xFFFFFFC0];
	v44 =	vmul.f32 v18, v18;
	v46 =	vmul.f32 v36, v36  }
0x50: {  	v49 =	vld [tilespmem:s24+$0xFFFFFF80];
	v19 =	vmul.f32 v19, v19;
	v21 =	vmul.f32 v21, v21  }
0x51: {  	v50 =	vld [tilespmem:s14+$0x10];
	v47 =	vmul.f32 v12, v12;
	v36 =	vmul.f32 v36, v12  }
0x52: {  	v28 =	vld [tilespmem:s24+$0xFFFFFFE0];
	v12 =	vmul.f32 v17, v17;
	v48 =	vmul.f32 v26, v26  }
0x53: {  	v33 =	vld [tilespmem:s24+$0xFFFFFFD0];
	v26 =	vmul.f32 v16, v16;
	v16 =	vmul.f32 v16, v17  }
0x54: {  	v41 =	vld [tilespmem:s30+$0x20];
	v17 =	vmul.f32 v22, v22;
	v54 =	vmul.f32 v7, v15  }
0x55: {  	v5 =	vld [tilespmem:s24+$0x40];
	v15 =	vmul.f32 v15, v15;
	v56 =	vmul.f32 v49, v49  }
0x56: {  	v25 =	vld [tilespmem:s14+$0x50];
	v58 =	vmul.f32 v42, v42;
	v61 =	vmul.f32 v50, v50  }
0x57: {  	v43 =	vmul.f32 v27, v9;
	v37 =	vmul.f32 v28, v37;
	v9 =	vld [tilespmem:s14+$0x70]  }
0x58: {  	v45 =	vmul.f32 v33, v11;
	v11 =	vld [tilespmem:s30+$0x40];
	v38 =	vadd.f32 v38, v6;
	v13 =	vadd.f32 v31, v13  }
0x59: {  	v6 =	vld [tilespmem:s24+$0x70];
	v10 =	vadd.f32 v47, v10;
	v8 =	vadd.f32 v12, v8;
	v51 =	vmul.f32 v14, v16  }
0x5a: {  	v31 =	vld [tilespmem:s24+$0xFFFFFFB0];
	v23 =	vmul.f32 v49, v23;
	v33 =	vmul.f32 v33, v33;
	v38 =	vadd.f32 v19, v38  }
0x5b: {  	v47 =	vld [tilespmem:s14+$0x20];
	v28 =	vmul.f32 v28, v28;
	v10 =	vadd.f32 v29, v10;
	v8 =	vadd.f32 v21, v8  }
0x5c: {  	v12 =	vld [tilespmem:s30+$0x50];
	v52 =	vadd.f32 v17, v13;
	v13 =	vmul.f32 v14, v14;
	v29 =	vmul.f32 v18, v36  }
0x5d: {  	v16 =	vld [tilespmem:s24+$0x10];
	v36 =	vmul.f32 v24, v20;
	v24 =	vadd.f32 v51, v23;
	v23 =	vmul.f32 v42, v30  }
0x5e: {  	v21 =	vld [tilespmem:s30+$0x10];
	v51 =	vmul.f32 v25, v25;
	v8 =	vadd.f32 v26, v8;
	v32 =	vadd.f32 v32, v38  }
0x5f: {  	v17 =	vld [tilespmem:s14+$0x0];
	v10 =	vadd.f32 v46, v10;
	v19 =	vmul.f32 v3, v9;
	v22 =	vmul.f32 v11, v4  }
0x60: {  	v14 =	vld [tilespmem:s30+$0x0];
	v30 =	vadd.f32 v45, v23;
	v53 =	vmul.f32 v31, v31;
	v62 =	vmul.f32 v41, v47  }
0x61: {  	v20 =	vld [tilespmem:s24+$0x20];
	v46 =	vmul.f32 v12, v25;
	v25 =	vadd.f32 v34, v52;
	v18 =	vadd.f32 v35, v8  }
0x62: {  	v8 =	vld [tilespmem:s24+$0x30];
	v10 =	vadd.f32 v48, v10;
	v32 =	vadd.f32 v40, v32;
	v26 =	vmul.f32 v5, v22  }
0x63: {  	v48 =	vld [tilespmem:s14+$0x60];
	v22 =	vmul.f32 v27, v27;
	v27 =	vmul.f32 v21, v50;
	v18 =	vadd.f32 v13, v18  }
0x64: {  	v38 =	vmul.f32 v31, v36;
	v35 =	vadd.f32 v43, v37;
	v13 =	vld [tilespmem:s24+$0x0];
	v10 =	vadd.f32 v44, v10  }
0x65: {  	v60 =	vmul.f32 v16, v27;
	v27 =	vadd.f32 v39, v25;
	v33 =	vadd.f32 v33, v18;
	v18 =	vld [tilespmem:s30+$0x60]  }
0x66: {  	v19 =	vmul.f32 v6, v19;
	v25 =	vld [tilespmem:s24+$0x50];
	v10 =	vadd.f32 v28, v10;
	v28 =	vmul.f32 v47, v47  }
0x67: {  	v23 =	vld [tilespmem:s24+$0x60];
	v63 =	vmul.f32 v14, v17;
	v57 =	vmul.f32 v20, v62;
	v27 =	vadd.f32 v53, v27  }
0x68: {  	v55 =	vmul.f32 v8, v54;
	v33 =	vadd.f32 v61, v33;
	v34 =	vadd.f32 v28, v10  }
0x69: {  	v28 =	vmul.f32 v41, v41;
	v10 =	vimm.f32 $0.0e+00;
	v59 =	vmul.f32 v13, v63  }
0x6a: {  	v63 =	vadd.f32 v56, v32;
	v32 =	vmul.f32 v48, v48;
	v62 =	vmul.f32 v18, v48  }
0x6b: {  	s4 =	simm.s32 $0x0;
	s16 =	simm.s32 $0x2;
	v39 =	vadd.f32 v55, v57;
	v40 =	vmul.f32 v25, v46;
	v33 =	vadd.f32 v51, v33  }
0x6c: {  	s17 =	sadd.s32 $0x100, s30;
	s31 =	smov.u32 s24;
	s3 =	smov.u32 s14;
	v37 =	vadd.f32 v60, v59;
	v31 =	vadd.f32 v58, v63;
	v36 =	vmul.f32 v23, v62  }
.LBB2_3:
0x6d: {  	v41 =	vld [tilespmem:s17+$0x70];
	p0 =	slt.u32 s16, $0xE;
	v29 =	vadd.f32 v38, v29;
	v26 =	vadd.f32 v40, v26;
	v38 =	vmul.f32 v18, v18;
	s31 =	sadd.s32 $0x100, s31;
	s3 =	sadd.s32 $0x100, s3  }
0x6e: {  	v30 =	vadd.f32 v35, v30;
	s15 =	smov.u32 s16;
	s16 =	sadd.s32 $0x2, s16;
	v18 =	vld [tilespmem:s3+$0x30];
	v35 =	vadd.f32 v39, v37;
	v37 =	vmul.f32 v21, v21  }
0x6f: {  	v17 =	vmul.f32 v17, v17;
	v39 =	vld [tilespmem:s3+$0x40];
	v24 =	vadd.f32 v29, v24;
	v29 =	vadd.f32 v32, v34  }
0x70: {  	v19 =	vadd.f32 v19, v36;
	v12 =	vmul.f32 v12, v12;
	v32 =	vmul.f32 v16, v16;
	v21 =	vld [tilespmem:s31+$0xFFFFFF90]  }
0x71: {  	v34 =	vmul.f32 v4, v4;
	v33 =	vadd.f32 v37, v33;
	v16 =	vld [tilespmem:s17+$0xFFFFFF90];
	v30 =	vadd.f32 v30, v24  }
0x72: {  	v19 =	vadd.f32 v19, v26;
	v26 =	vadd.f32 v17, v31;
	v31 =	vmul.f32 v20, v20;
	v24 =	vld [tilespmem:s31+$0xFFFFFFA0]  }
0x73: {  	v22 =	vadd.f32 v22, v27;
	v14 =	vmul.f32 v14, v14;
	v27 =	vadd.f32 v28, v29;
	v17 =	vld [tilespmem:s3+$0xFFFFFF90];
	(xrf2) =	vadd.scan.msk.f32 $0xffff, v30  }
0x74: {  	v25 =	vmul.f32 v25, v25;
	v23 =	vmul.f32 v23, v23;
	v12 =	vadd.f32 v12, v33;
	v29 =	vld [tilespmem:s3+$0xFFFFFFA0];
	v4 =	vmovc v39  }
0x75: {  	v11 =	vmul.f32 v11, v11;
	v26 =	vadd.f32 v34, v26;
	v27 =	vadd.f32 v38, v27;
	v20 =	vld [tilespmem:s3+$0xFFFFFFB0]  }
0x76: {  	v9 =	vmul.f32 v9, v9;
	v15 =	vadd.f32 v15, v22;
	v12 =	vadd.f32 v32, v12;
	v30 =	vld [tilespmem:s3+$0xFFFFFFC0]  }
0x77: {  	v13 =	vmul.f32 v13, v13;
	v14 =	vadd.f32 v14, v26;
	v26 =	vadd.f32 v31, v27;
	v22 =	vld [tilespmem:s3+$0xFFFFFFD0]  }
0x78: {  	v7 =	vmul.f32 v7, v7;
	v9 =	vadd.f32 v9, v15;
	v28 =	vld [tilespmem:s3+$0xFFFFFFE0]  }
0x79: {  	v19 =	vadd.f32 v19, v35;
	v11 =	vadd.f32 v11, v14;
	v15 =	vld [tilespmem:s3+$0xFFFFFFF0]  }
0x7a: {  	v7 =	vadd.f32 v7, v9;
	v25 =	vadd.f32 v25, v12;
	v14 =	vld [tilespmem:s17+$0xFFFFFF80]  }
0x7b: {  	v27 =	vmul.f32 v5, v5;
	v11 =	vadd.f32 v13, v11;
	v13 =	vadd.f32 v23, v26;
	v9 =	vld [tilespmem:s17+$0xFFFFFFF0];
	(xrf2) =	vadd.scan.msk.f32 $0xffff, v19  }
0x7c: {  	v12 =	vld [tilespmem:s3+$0xFFFFFF80]  }
0x7d: {  	v11 =	vadd.f32 v27, v11;
	v19 =	vmul.f32 v3, v3;
	v3 =	vmov v41;
	v23 =	vld [tilespmem:s17+$0xFFFFFFB0];
	v5, _, _ =	vpop (xrf2)  }
0x7e: {  	v26 =	vld [tilespmem:s17+$0xFFFFFFD0];
	v5 =	vbroadcast v5, $0xF  }
0x7f: {  	v8 =	vmul.f32 v8, v8;
	v32 =	vmul.f32 v28, v28;
	v7 =	vadd.f32 v19, v7;
	v31 =	vld [tilespmem:s17+$0xFFFFFFE0]  }
0x80: {  	v34 =	vmov s4;
	v19 =	vmul.f32 v20, v20;
	v33 =	vld [tilespmem:s31+$0xFFFFFFF0]  }
0x81: {  	v6 =	vmul.f32 v6, v6;
	v35 =	vmul.f32 v14, v14;
	v7 =	vadd.f32 v8, v7;
	v27 =	vld [tilespmem:s31+$0xFFFFFFE0]  }
0x82: {  	vm0 =	veq.s32 v34, v0;
	v8 =	vld [tilespmem:s17+$0xFFFFFFC0];
	v36 =	vmul.f32 v23, v23  }
0x83: {  	v10 =	vsel vm0, v5, v10;
	v38 =	vadd.f32 v6, v7;
	v34 =	vld [tilespmem:s31+$0xFFFFFFD0];
	v37 =	vmul.f32 v26, v26  }
0x84: {  	s19 =	sadd.s32 $0x1, s4;
	s4 =	smov.u32 s15;
	v40 =	vmul.f32 v12, v12;
	v39 =	vld [tilespmem:s17+$0xFFFFFFA0];
	v6 =	vmul.f32 v31, v28  }
0x85: {  	v41 =	vmul.f32 v9, v9;
	v5 =	vmov s19;
	v7 =	vld [tilespmem:s17+$0x30];
	v42, _, _ =	vpop (xrf2)  }
0x86: {  	v14 =	vmul.f32 v14, v12;
	vm0 =	veq.s32 v5, v0;
	v28 =	vld [tilespmem:s17+$0x20];
	v12 =	vbroadcast v42, $0xF  }
0x87: {  	v9 =	vmul.f32 v9, v15;
	v42 =	vmul.f32 v8, v8;
	v5 =	vld [tilespmem:s31+$0x40]  }
0x88: {  	v44 =	vmul.f32 v8, v30;
	v43 =	vld [tilespmem:s31+$0xFFFFFFC0];
	v10 =	vsel vm0, v12, v10  }
0x89: {  	v45 =	vmul.f32 v33, v9;
	v8 =	vmul.f32 v26, v22;
	v46 =	vld [tilespmem:s3+$0x50]  }
0x8a: {  	v48 =	vmul.f32 v24, v24;
	v47 =	vmul.f32 v27, v6;
	v9 =	vld [tilespmem:s3+$0x70]  }
0x8b: {  	v49 =	vmul.f32 v34, v8;
	v8 =	vadd.f32 v40, v11;
	v40 =	vmul.f32 v39, v39;
	v11 =	vld [tilespmem:s17+$0x40]  }
0x8c: {  	v26 =	vmul.f32 v30, v30;
	v22 =	vmul.f32 v22, v22;
	v6 =	vld [tilespmem:s31+$0x70]  }
0x8d: {  	v38 =	vadd.f32 v19, v38;
	v30 =	vmul.f32 v39, v29;
	v29 =	vmul.f32 v29, v29;
	v12 =	vld [tilespmem:s17+$0x50]  }
0x8e: {  	v19 =	vmul.f32 v17, v17;
	v31 =	vmul.f32 v31, v31;
	v8 =	vadd.f32 v26, v8;
	v39 =	vld [tilespmem:s31+$0xFFFFFFB0]  }
0x8f: {  	v13 =	vadd.f32 v29, v13;
	v26 =	vmul.f32 v16, v16;
	v50 =	vld [tilespmem:s31+$0xFFFFFF80];
	v29 =	vmul.f32 v3, v9  }
0x90: {  	v15 =	vmul.f32 v15, v15;
	v16 =	vmul.f32 v16, v17;
	v17 =	vadd.f32 v19, v25;
	v51 =	vld [tilespmem:s3+$0x20]  }
0x91: {  	v13 =	vadd.f32 v32, v13;
	v25 =	vmul.f32 v11, v4;
	v32 =	vld [tilespmem:s3+$0x10];
	v19 =	vmul.f32 v6, v29  }
0x92: {  	v38 =	vadd.f32 v15, v38;
	v52 =	vmul.f32 v21, v16;
	v22 =	vadd.f32 v22, v17;
	v17 =	vld [tilespmem:s3+$0x0]  }
0x93: {  	v53 =	vmul.f32 v21, v21;
	v35 =	vadd.f32 v35, v8;
	v54 =	vmul.f32 v39, v39;
	v16 =	vld [tilespmem:s31+$0x10]  }
0x94: {  	v8 =	vadd.f32 v26, v22;
	v26 =	vmul.f32 v5, v25;
	v55 =	vmul.f32 v50, v14;
	v21 =	vld [tilespmem:s17+$0x10]  }
0x95: {  	v56 =	vmul.f32 v7, v18;
	v25 =	vadd.f32 v40, v13;
	v14 =	vld [tilespmem:s17+$0x0];
	v40 =	vmul.f32 v28, v51  }
0x96: {  	v15 =	vmul.f32 v18, v18;
	v29 =	vmul.f32 v24, v30;
	v13 =	vadd.f32 v37, v8;
	v8 =	vld [tilespmem:s31+$0x30]  }
0x97: {  	v57 =	vmul.f32 v23, v20;
	v18 =	vmul.f32 v34, v34;
	v24 =	vadd.f32 v52, v55;
	v20 =	vld [tilespmem:s31+$0x20]  }
0x98: {  	v22 =	vmul.f32 v33, v33;
	v33 =	vmul.f32 v12, v46;
	v23 =	vadd.f32 v53, v13;
	v13 =	vld [tilespmem:s31+$0x0]  }
0x99: {  	v30 =	vmul.f32 v43, v44;
	v25 =	vadd.f32 v31, v25;
	v31 =	vld [tilespmem:s3+$0x60];
	v34 =	vmul.f32 v21, v32  }
0x9a: {  	v46 =	vmul.f32 v46, v46;
	v44 =	vadd.f32 v18, v23;
	v18 =	vld [tilespmem:s17+$0x60];
	v37 =	vmul.f32 v14, v17  }
0x9b: {  	v30 =	vadd.f32 v49, v30;
	v48 =	vadd.f32 v48, v25;
	v49 =	vmul.f32 v8, v56  }
0x9c: {  	v25 =	vadd.f32 v36, v38;
	v36 =	vmul.f32 v50, v50;
	v50 =	vmul.f32 v20, v40  }
0x9d: {  	v38 =	vadd.f32 v42, v35;
	v40 =	vmul.f32 v43, v43;
	v23 =	vld [tilespmem:s31+$0x60];
	v37 =	vmul.f32 v13, v37  }
0x9e: {  	v42 =	vmul.f32 v32, v32;
	v41 =	vadd.f32 v41, v25;
	v34 =	vmul.f32 v16, v34;
	v25 =	vld [tilespmem:s31+$0x50]  }
0x9f: {  	v35 =	vadd.f32 v45, v47;
	v43 =	vmul.f32 v27, v27;
	v45 =	vmul.f32 v18, v31  }
.Ltmp0:
0xa0: {  	v47 =	vadd.f32 v36, v38;
	v27 =	vadd.f32 v54, v41;
	v32 =	vmul.f32 v31, v31;
	(pc) =	sbr.rel @p0 .LBB2_3-.Ltmp0, $4  }
0xa1: {  	v41 =	vadd.f32 v43, v48;
	v37 =	vadd.f32 v34, v37;
	v34 =	vmul.f32 v51, v51  }
0xa2: {  	v38 =	vmul.f32 v39, v57;
	v42 =	vadd.f32 v42, v44;
	v36 =	vmul.f32 v23, v45  }
0xa3: {  	v31 =	vadd.f32 v40, v47;
	v34 =	vadd.f32 v34, v41;
	v40 =	vmul.f32 v25, v33  }
0xa4: {  	v28 =	vmul.f32 v28, v28;
	s17 =	sadd.s32 $0x100, s17;
	v39 =	vadd.f32 v49, v50;
	v33 =	vadd.f32 v46, v42  }
0xa5: {  	v29 =	vadd.f32 v38, v29  }
0xa6: {  	v26 =	vadd.f32 v40, v26;
	v19 =	vadd.f32 v19, v36  }
0xa7: {  	v30 =	vadd.f32 v35, v30;
	v24 =	vadd.f32 v29, v24  }
0xa8: {  	v55 =	vadd.f32 v39, v37;
	v19 =	vadd.f32 v19, v26  }
0xa9: {  	v24 =	vadd.f32 v30, v24  }
0xaa: {  	v19 =	vadd.f32 v19, v55  }
0xab: {  	(xrf2) =	vadd.scan.msk.f32 $0xffff, v24  }
0xac: {  	(xrf2) =	vadd.scan.msk.f32 $0xffff, v19;
	_ =	sdelay $0x8  }
0xad: {  	v56, _, _ =	vpop (xrf2)  }
0xae: {  	v57 =	vmov s4;
	s3 =	sadd.s32 $0x1, s4;
	v19 =	vbroadcast v56, $0xF;
	v58, _, _ =	vpop (xrf2)  }
0xaf: {  	vm0 =	veq.s32 v57, v0;
	v59 =	vmov s3;
	v26 =	vbroadcast v58, $0xF  }
0xb0: {  	vm15 =	veq.s32 v59, v0;
	v10 =	vsel vm0, v19, v10  }
0xb1: {  	v10 =	vsel vm15, v26, v10  }
0xb2: {  	v10 =	vmul.f32 v10, v1;
	_ =	sdelay $0x1  }
0xb3: {  	v10 =	vadd.f32 v10, v2;
	_ =	sdelay $0x1  }
0xb4: {  	v10 =	vsub.f32 $0.0e+00, v10;
	_ =	sdelay $0x1  }
0xb5: {  	v10 =	vmul.f32 $1.442695020e+00, v10;
	_ =	sdelay $0x1  }
0xb6: {  	(erf) = vpow2.f32 v10;
	_ =	sdelay $0x7  }
0xb7: {  	v60 =	vmul.f32 v21, v21;
	v17 =	vmul.f32 v17, v17;
	v22 =	vadd.f32 v22, v27  }
0xb8: {  	v12 =	vmul.f32 v12, v12;
	v4 =	vmul.f32 v4, v4;
	v62 =	vpop (erf)  }
0xb9: {  	v9 =	vmul.f32 v9, v9;
	v15 =	vadd.f32 v15, v22;
	v21 =	vadd.f32 $1.000000000e+00, v62  }
0xba: {  	v61 =	vadd.f32 v32, v34;
	v20 =	vmul.f32 v20, v20;
	v7 =	vmul.f32 v7, v7  }
0xbb: {  	v17 =	vadd.f32 v17, v31;
	v9 =	vadd.f32 v9, v15;
	(erf) = vrcp.f32 v21  }
0xbc: {  	v14 =	vmul.f32 v14, v14;
	v63 =	vadd.f32 v28, v61;
	v10 =	vmul.f32 v18, v18  }
0xbd: {  	v3 =	vmul.f32 v3, v3;
	v4 =	vadd.f32 v4, v17;
	v7 =	vadd.f32 v7, v9  }
0xbe: {  	v11 =	vmul.f32 v11, v11;
	v18 =	vadd.f32 v60, v33;
	v9 =	vadd.f32 v10, v63  }
0xbf: {  	s31 =	sshll.u32 s0, $0x4;
	s0 =	sadd.s32 $0x1, s0;
	v4 =	vadd.f32 v14, v4;
	v3 =	vadd.f32 v3, v7;
	v7 =	vmul.f32 v8, v8  }
0xc0: {  	v16 =	vmul.f32 v16, v16;
	p0 =	sne.s32 s0, $0x8;
	v12 =	vadd.f32 v12, v18;
	v9 =	vadd.f32 v20, v9  }
.Ltmp1:
0xc1: {  	v4 =	vadd.f32 v11, v4;
	v3 =	vadd.f32 v7, v3;
	v10 =	vmul.f32 v13, v13;
	(pc) =	sbr.rel @p0 .LBB2_2-.Ltmp1, $4  }
0xc2: {  	v7 =	vmul.f32 v6, v6;
	v11 =	vadd.f32 v16, v12;
	v12 =	vmul.f32 v23, v23  }
0xc3: {  	v5 =	vmul.f32 v5, v5;
	v14 =	vmul.f32 v25, v25;
	v4 =	vadd.f32 v10, v4  }
0xc4: {  	s3 =	sand.u32 $0x3FFFFFF0, s31;
	v13 =	vadd.f32 v7, v3;
	v10 =	vadd.f32 v12, v9;
	v9 =	vpop (erf)  }
0xc5: {  	s30 =	sadd.s32 $0x800, s30;
	s24 =	sadd.s32 $0x800, s24;
	s14 =	sadd.s32 $0x800, s14;
	v8 =	vadd.f32 v14, v11;
	v6 =	vadd.f32 v5, v4;
	[tilespmem:s3+$0x18600] =	vst v9  }
0xc6: {  	_ =	swait.ge [sflag:s29], $0x4000  }
0xc7: {  	[sflag:s29] =	ssyncset.done $0x0  }
0xc8: {  	[sflag:s29] =	ssyncadd.s32 $0xFFFFC000  }
0xc9: {  	_ =	swait.ge [sflag:s29], $0x4000  }
0xca: {  	[sflag:s29] =	ssyncset.done $0x0  }
0xcb: {  	[sflag:s29] =	ssyncadd.s32 $0xFFFFC000  }
0xcc: {  	_ =	swait.ge [sflag:s29], $0x4000  }
0xcd: {  	[sflag:s29] =	ssyncset.done $0x0  }
0xce: {  	s0 =	simm.s32 $0x600;
	s3 =	simm.s32 $0x100;
	[sflag:s29] =	ssyncadd.s32 $0xFFFFC000  }
0xcf: {  	[tilespmem:s0], [sflag:$0x1] =	stream.indirect.gather [hbm4b:s1+s18], $0x80, s3, s18, $0xb8;
	[tilespmem:$0x18980] =	vst v63  }
0xd0: {  	s19 =	simm.s32 $0x300;
	s24 =	simm.s32 $0x500;
	s30 =	simm.s32 $0x14680  }
0xd1: {  	[tilespmem:s20], [sflag:$0x1] =	stream.indirect.gather [hbm4b:s2+s18], $0x80, s19, s18, $0xb8;
	[tilespmem:$0x18980] =	vst v63  }
0xd2: {  	s31 =	simm.s32 $0x10680;
	s3 =	simm.s32 $0x0;
	s0 =	simm.s32 $0xC680  }
0xd3: {  	[tilespmem:s21], [sflag:$0x1] =	stream.indirect.gather [hbm4b:s1+s18], $0x80, s24, s18, $0xb8;
	[tilespmem:$0x18980] =	vst v63  }
.LBB2_6:
0xd4: {  	v3 =	vld [tilespmem:s30+$0x70]  }
0xd5: {  	v15 =	vld [tilespmem:s0+$0x30]  }
0xd6: {  	v4 =	vld [tilespmem:s0+$0x40]  }
0xd7: {  	v14 =	vld [tilespmem:s31+$0xFFFFFF90]  }
0xd8: {  	v16 =	vld [tilespmem:s30+$0xFFFFFF90]  }
0xd9: {  	v18 =	vld [tilespmem:s31+$0xFFFFFFA0]  }
0xda: {  	v17 =	vld [tilespmem:s0+$0xFFFFFF90]  }
0xdb: {  	v19 =	vld [tilespmem:s0+$0xFFFFFFA0]  }
0xdc: {  	v20 =	vld [tilespmem:s0+$0xFFFFFFB0]  }
0xdd: {  	v21 =	vld [tilespmem:s0+$0xFFFFFFC0]  }
0xde: {  	v5 =	vld [tilespmem:s0+$0xFFFFFFE0]  }
0xdf: {  	v9 =	vld [tilespmem:s30+$0xFFFFFF80]  }
0xe0: {  	v11 =	vld [tilespmem:s30+$0xFFFFFFF0]  }
0xe1: {  	v24 =	vld [tilespmem:s30+$0xFFFFFFB0]  }
0xe2: {  	v25 =	vld [tilespmem:s30+$0xFFFFFFD0]  }
0xe3: {  	v26 =	vld [tilespmem:s30+$0xFFFFFFE0]  }
0xe4: {  	v12 =	vld [tilespmem:s0+$0xFFFFFF80]  }
0xe5: {  	v23 =	vld [tilespmem:s0+$0xFFFFFFF0]  }
0xe6: {  	v29 =	vld [tilespmem:s30+$0xFFFFFFC0];
	v30 =	vmul.f32 v5, v5;
	v31 =	vmul.f32 v20, v20  }
0xe7: {  	v22 =	vld [tilespmem:s0+$0xFFFFFFD0];
	v33 =	vmul.f32 v9, v9;
	v34 =	vmul.f32 v24, v24  }
0xe8: {  	v35 =	vld [tilespmem:s30+$0xFFFFFFA0];
	v36 =	vmul.f32 v25, v25;
	v37 =	vmul.f32 v26, v5  }
0xe9: {  	v27 =	vld [tilespmem:s31+$0xFFFFFFF0];
	v38 =	vmul.f32 v12, v12;
	v39 =	vmul.f32 v11, v11  }
0xea: {  	v28 =	vld [tilespmem:s31+$0xFFFFFFE0];
	v40 =	vmul.f32 v9, v12;
	v9 =	vmul.f32 v11, v23  }
0xeb: {  	v32 =	vld [tilespmem:s31+$0xFFFFFFD0];
	v42 =	vmul.f32 v29, v29;
	v44 =	vmul.f32 v29, v21  }
0xec: {  	v7 =	vld [tilespmem:s30+$0x30];
	v12 =	vmul.f32 v25, v22;
	v46 =	vmul.f32 v18, v18  }
0xed: {  	v48 =	vld [tilespmem:s31+$0xFFFFFFB0];
	v29 =	vmul.f32 v35, v35;
	v21 =	vmul.f32 v21, v21  }
0xee: {  	v43 =	vld [tilespmem:s31+$0xFFFFFFC0];
	v22 =	vmul.f32 v22, v22;
	v35 =	vmul.f32 v35, v19  }
0xef: {  	v41 =	vld [tilespmem:s30+$0x20];
	v19 =	vmul.f32 v19, v19;
	v49 =	vmul.f32 v17, v17  }
0xf0: {  	v50 =	vld [tilespmem:s31+$0xFFFFFF80];
	v60 =	vmul.f32 v26, v26;
	v26 =	vmul.f32 v16, v16  }
0xf1: {  	v51 =	vld [tilespmem:s0+$0x10];
	v16 =	vmul.f32 v16, v17;
	v17 =	vmul.f32 v23, v23  }
0xf2: {  	v5 =	vld [tilespmem:s31+$0x40];
	v52 =	vmul.f32 v48, v48;
	v55 =	vmul.f32 v7, v15  }
0xf3: {  	v25 =	vld [tilespmem:s0+$0x50];
	v15 =	vmul.f32 v15, v15;
	v57 =	vmul.f32 v43, v43  }
0xf4: {  	v11 =	vld [tilespmem:s0+$0x70];
	v45 =	vmul.f32 v27, v9;
	v37 =	vmul.f32 v28, v37;
	v9 =	vimm.f32 $0.0e+00  }
0xf5: {  	v47 =	vmul.f32 v32, v12;
	v12 =	vld [tilespmem:s30+$0x40];
	v38 =	vadd.f32 v38, v6;
	v10 =	vadd.f32 v19, v10  }
0xf6: {  	v6 =	vld [tilespmem:s31+$0x70];
	v31 =	vadd.f32 v31, v13;
	v8 =	vadd.f32 v49, v8;
	v40 =	vmul.f32 v50, v40  }
0xf7: {  	v49 =	vld [tilespmem:s0+$0x20];
	v28 =	vmul.f32 v28, v28;
	v21 =	vadd.f32 v21, v38;
	v10 =	vadd.f32 v30, v10  }
0xf8: {  	v13 =	vld [tilespmem:s30+$0x50];
	v30 =	vmul.f32 v14, v16;
	v8 =	vadd.f32 v22, v8;
	v22 =	vmul.f32 v14, v14  }
0xf9: {  	v31 =	vadd.f32 v17, v31;
	v17 =	vld [tilespmem:s0+$0x0];
	v19 =	vmul.f32 v3, v11;
	v56 =	vmul.f32 v25, v25  }
0xfa: {  	v14 =	vld [tilespmem:s30+$0x0];
	v33 =	vadd.f32 v33, v21;
	v53 =	vadd.f32 v29, v10;
	v29 =	vmul.f32 v18, v35  }
0xfb: {  	v16 =	vld [tilespmem:s31+$0x10];
	v8 =	vadd.f32 v26, v8;
	v18 =	vmul.f32 v32, v32;
	v23 =	vmul.f32 v12, v4  }
0xfc: {  	v38 =	vld [tilespmem:s0+$0x60];
	v35 =	vadd.f32 v45, v37;
	v19 =	vmul.f32 v6, v19;
	v54 =	vmul.f32 v41, v49  }
0xfd: {  	v21 =	vld [tilespmem:s30+$0x10];
	v10 =	vadd.f32 v36, v8;
	v36 =	vmul.f32 v24, v20;
	v61 =	vadd.f32 v60, v53  }
0xfe: {  	v8 =	vld [tilespmem:s31+$0x30];
	v26 =	vmul.f32 v5, v23;
	v23 =	vadd.f32 v30, v40;
	v40 =	vmul.f32 v13, v25  }
0xff: {  	v20 =	vld [tilespmem:s31+$0x20];
	v63 =	vmul.f32 v14, v17;
	v25 =	vadd.f32 v34, v31;
	v31 =	vadd.f32 v42, v33  }
0x100: {  	v24 =	vadd.f32 v22, v10;
	v22 =	vmul.f32 v27, v27;
	v10 =	vld [tilespmem:s31+$0x0];
	v27 =	vmul.f32 v43, v44  }
0x101: {  	v32 =	vmul.f32 v38, v38;
	v46 =	vadd.f32 v46, v61;
	v59 =	vadd.f32 v39, v25;
	v25 =	vld [tilespmem:s31+$0x50]  }
0x102: {  	v44 =	vadd.f32 v18, v24;
	v18 =	vld [tilespmem:s30+$0x60];
	v30 =	vadd.f32 v47, v27;
	v27 =	vmul.f32 v50, v50  }
0x103: {  	v61 =	vmul.f32 v51, v51;
	v62 =	vmul.f32 v21, v51;
	v28 =	vadd.f32 v28, v46  }
0x104: {  	v24 =	vld [tilespmem:s31+$0x60];
	v47 =	vmul.f32 v8, v55;
	v55 =	vmul.f32 v20, v54;
	v31 =	vadd.f32 v27, v31  }
0x105: {  	v60 =	vmul.f32 v16, v62;
	v27 =	vadd.f32 v52, v59;
	v42 =	vadd.f32 v61, v44  }
0x106: {  	v58 =	vmul.f32 v10, v63;
	v63 =	vmul.f32 v49, v49;
	v39 =	vadd.f32 v47, v55  }
0x107: {  	v31 =	vadd.f32 v57, v31;
	v40 =	vmul.f32 v25, v40;
	v62 =	vmul.f32 v18, v38  }
0x108: {  	s16 =	simm.s32 $0x2;
	s17 =	sadd.s32 $0x100, s30;
	v33 =	vadd.f32 v56, v42;
	v37 =	vadd.f32 v60, v58;
	v38 =	vmul.f32 v48, v36  }
0x109: {  	s24 =	smov.u32 s31;
	s14 =	smov.u32 s0;
	s4 =	simm.s32 $0x0;
	v34 =	vadd.f32 v63, v28;
	v28 =	vmul.f32 v41, v41;
	v36 =	vmul.f32 v24, v62  }
.LBB2_7:
0x10a: {  	v41 =	vld [tilespmem:s17+$0x70];
	p0 =	slt.u32 s16, $0xE;
	v29 =	vadd.f32 v38, v29;
	v26 =	vadd.f32 v40, v26;
	v38 =	vmul.f32 v18, v18;
	s24 =	sadd.s32 $0x100, s24;
	s14 =	sadd.s32 $0x100, s14  }
0x10b: {  	v30 =	vadd.f32 v35, v30;
	s15 =	smov.u32 s16;
	s16 =	sadd.s32 $0x2, s16;
	v18 =	vld [tilespmem:s14+$0x30];
	v35 =	vadd.f32 v39, v37;
	v37 =	vmul.f32 v21, v21  }
0x10c: {  	v17 =	vmul.f32 v17, v17;
	v39 =	vld [tilespmem:s14+$0x40];
	v23 =	vadd.f32 v29, v23;
	v29 =	vadd.f32 v32, v34  }
0x10d: {  	v19 =	vadd.f32 v19, v36;
	v13 =	vmul.f32 v13, v13;
	v32 =	vmul.f32 v16, v16;
	v21 =	vld [tilespmem:s24+$0xFFFFFF90]  }
0x10e: {  	v34 =	vmul.f32 v4, v4;
	v33 =	vadd.f32 v37, v33;
	v16 =	vld [tilespmem:s17+$0xFFFFFF90];
	v30 =	vadd.f32 v30, v23  }
0x10f: {  	v19 =	vadd.f32 v19, v26;
	v26 =	vadd.f32 v17, v31;
	v31 =	vmul.f32 v20, v20;
	v23 =	vld [tilespmem:s24+$0xFFFFFFA0]  }
0x110: {  	v22 =	vadd.f32 v22, v27;
	v14 =	vmul.f32 v14, v14;
	v27 =	vadd.f32 v28, v29;
	v17 =	vld [tilespmem:s14+$0xFFFFFF90];
	(xrf2) =	vadd.scan.msk.f32 $0xffff, v30  }
0x111: {  	v25 =	vmul.f32 v25, v25;
	v24 =	vmul.f32 v24, v24;
	v13 =	vadd.f32 v13, v33;
	v29 =	vld [tilespmem:s14+$0xFFFFFFA0];
	v4 =	vmovc v39  }
0x112: {  	v12 =	vmul.f32 v12, v12;
	v26 =	vadd.f32 v34, v26;
	v27 =	vadd.f32 v38, v27;
	v20 =	vld [tilespmem:s14+$0xFFFFFFB0]  }
0x113: {  	v11 =	vmul.f32 v11, v11;
	v15 =	vadd.f32 v15, v22;
	v13 =	vadd.f32 v32, v13;
	v30 =	vld [tilespmem:s14+$0xFFFFFFC0]  }
0x114: {  	v10 =	vmul.f32 v10, v10;
	v14 =	vadd.f32 v14, v26;
	v26 =	vadd.f32 v31, v27;
	v22 =	vld [tilespmem:s14+$0xFFFFFFD0]  }
0x115: {  	v7 =	vmul.f32 v7, v7;
	v11 =	vadd.f32 v11, v15;
	v28 =	vld [tilespmem:s14+$0xFFFFFFE0]  }
0x116: {  	v19 =	vadd.f32 v19, v35;
	v12 =	vadd.f32 v12, v14;
	v15 =	vld [tilespmem:s14+$0xFFFFFFF0]  }
0x117: {  	v7 =	vadd.f32 v7, v11;
	v25 =	vadd.f32 v25, v13;
	v14 =	vld [tilespmem:s17+$0xFFFFFF80]  }
0x118: {  	v27 =	vmul.f32 v5, v5;
	v10 =	vadd.f32 v10, v12;
	v24 =	vadd.f32 v24, v26;
	v11 =	vld [tilespmem:s17+$0xFFFFFFF0];
	(xrf2) =	vadd.scan.msk.f32 $0xffff, v19  }
0x119: {  	v12 =	vld [tilespmem:s14+$0xFFFFFF80]  }
0x11a: {  	v13 =	vmul.f32 v3, v3;
	v3 =	vmov v41;
	v10 =	vadd.f32 v27, v10;
	v31 =	vld [tilespmem:s17+$0xFFFFFFB0];
	v5, _, _ =	vpop (xrf2)  }
0x11b: {  	v19 =	vld [tilespmem:s17+$0xFFFFFFD0];
	v5 =	vbroadcast v5, $0xF  }
0x11c: {  	v8 =	vmul.f32 v8, v8;
	v7 =	vadd.f32 v13, v7;
	v32 =	vmul.f32 v28, v28;
	v26 =	vld [tilespmem:s17+$0xFFFFFFE0]  }
0x11d: {  	v34 =	vmov s4;
	v13 =	vmul.f32 v20, v20;
	v33 =	vld [tilespmem:s24+$0xFFFFFFF0]  }
0x11e: {  	v6 =	vmul.f32 v6, v6;
	v7 =	vadd.f32 v8, v7;
	v35 =	vmul.f32 v14, v14;
	v27 =	vld [tilespmem:s24+$0xFFFFFFE0]  }
0x11f: {  	vm0 =	veq.s32 v34, v0;
	v8 =	vld [tilespmem:s17+$0xFFFFFFC0];
	v36 =	vmul.f32 v31, v31  }
0x120: {  	v38 =	vadd.f32 v6, v7;
	v9 =	vsel vm0, v5, v9;
	v34 =	vld [tilespmem:s24+$0xFFFFFFD0];
	v37 =	vmul.f32 v19, v19  }
0x121: {  	s19 =	sadd.s32 $0x1, s4;
	s4 =	smov.u32 s15;
	v40 =	vmul.f32 v12, v12;
	v39 =	vld [tilespmem:s17+$0xFFFFFFA0];
	v6 =	vmul.f32 v26, v28  }
0x122: {  	v41 =	vmul.f32 v11, v11;
	v5 =	vmov s19;
	v7 =	vld [tilespmem:s17+$0x30];
	v42, _, _ =	vpop (xrf2)  }
0x123: {  	v14 =	vmul.f32 v14, v12;
	vm0 =	veq.s32 v5, v0;
	v28 =	vld [tilespmem:s17+$0x20];
	v12 =	vbroadcast v42, $0xF  }
0x124: {  	v11 =	vmul.f32 v11, v15;
	v42 =	vmul.f32 v8, v8;
	v5 =	vld [tilespmem:s24+$0x40]  }
0x125: {  	v44 =	vmul.f32 v8, v30;
	v43 =	vld [tilespmem:s24+$0xFFFFFFC0];
	v9 =	vsel vm0, v12, v9  }
0x126: {  	v45 =	vmul.f32 v33, v11;
	v8 =	vmul.f32 v19, v22;
	v46 =	vld [tilespmem:s14+$0x50]  }
0x127: {  	v48 =	vmul.f32 v23, v23;
	v47 =	vmul.f32 v27, v6;
	v11 =	vld [tilespmem:s14+$0x70]  }
0x128: {  	v49 =	vmul.f32 v34, v8;
	v8 =	vadd.f32 v40, v10;
	v10 =	vmul.f32 v39, v39;
	v12 =	vld [tilespmem:s17+$0x40]  }
0x129: {  	v19 =	vmul.f32 v30, v30;
	v22 =	vmul.f32 v22, v22;
	v6 =	vld [tilespmem:s24+$0x70]  }
0x12a: {  	v38 =	vadd.f32 v13, v38;
	v30 =	vmul.f32 v39, v29;
	v29 =	vmul.f32 v29, v29;
	v13 =	vld [tilespmem:s17+$0x50]  }
0x12b: {  	v50 =	vmul.f32 v26, v26;
	v40 =	vmul.f32 v17, v17;
	v8 =	vadd.f32 v19, v8;
	v39 =	vld [tilespmem:s24+$0xFFFFFFB0]  }
0x12c: {  	v19 =	vadd.f32 v29, v24;
	v24 =	vmul.f32 v16, v16;
	v51 =	vld [tilespmem:s24+$0xFFFFFF80];
	v26 =	vmul.f32 v3, v11  }
0x12d: {  	v15 =	vmul.f32 v15, v15;
	v16 =	vmul.f32 v16, v17;
	v17 =	vadd.f32 v40, v25;
	v40 =	vld [tilespmem:s14+$0x20]  }
0x12e: {  	v25 =	vadd.f32 v32, v19;
	v29 =	vmul.f32 v12, v4;
	v32 =	vld [tilespmem:s14+$0x10];
	v19 =	vmul.f32 v6, v26  }
0x12f: {  	v38 =	vadd.f32 v15, v38;
	v52 =	vmul.f32 v21, v16;
	v22 =	vadd.f32 v22, v17;
	v17 =	vld [tilespmem:s14+$0x0]  }
0x130: {  	v53 =	vmul.f32 v21, v21;
	v35 =	vadd.f32 v35, v8;
	v54 =	vmul.f32 v39, v39;
	v16 =	vld [tilespmem:s24+$0x10]  }
0x131: {  	v8 =	vadd.f32 v24, v22;
	v26 =	vmul.f32 v5, v29;
	v55 =	vmul.f32 v51, v14;
	v21 =	vld [tilespmem:s17+$0x10]  }
0x132: {  	v56 =	vmul.f32 v7, v18;
	v24 =	vadd.f32 v10, v25;
	v14 =	vld [tilespmem:s17+$0x0];
	v25 =	vmul.f32 v28, v40  }
0x133: {  	v15 =	vmul.f32 v18, v18;
	v10 =	vadd.f32 v37, v8;
	v29 =	vmul.f32 v23, v30;
	v8 =	vld [tilespmem:s24+$0x30]  }
0x134: {  	v31 =	vmul.f32 v31, v20;
	v18 =	vmul.f32 v34, v34;
	v23 =	vadd.f32 v52, v55;
	v20 =	vld [tilespmem:s24+$0x20]  }
0x135: {  	v22 =	vmul.f32 v33, v33;
	v33 =	vmul.f32 v13, v46;
	v30 =	vadd.f32 v53, v10;
	v10 =	vld [tilespmem:s24+$0x0]  }
0x136: {  	v34 =	vmul.f32 v43, v44;
	v24 =	vadd.f32 v50, v24;
	v37 =	vld [tilespmem:s14+$0x60];
	v44 =	vmul.f32 v21, v32  }
0x137: {  	v46 =	vmul.f32 v46, v46;
	v50 =	vadd.f32 v18, v30;
	v18 =	vld [tilespmem:s17+$0x60];
	v52 =	vmul.f32 v14, v17  }
0x138: {  	v30 =	vadd.f32 v49, v34;
	v34 =	vadd.f32 v48, v24;
	v48 =	vmul.f32 v8, v56  }
0x139: {  	v36 =	vadd.f32 v36, v38;
	v38 =	vmul.f32 v51, v51;
	v49 =	vmul.f32 v20, v25  }
0x13a: {  	v43 =	vmul.f32 v43, v43;
	v42 =	vadd.f32 v42, v35;
	v24 =	vld [tilespmem:s24+$0x60];
	v51 =	vmul.f32 v10, v52  }
0x13b: {  	v36 =	vadd.f32 v41, v36;
	v41 =	vmul.f32 v16, v44;
	v44 =	vmul.f32 v32, v32;
	v25 =	vld [tilespmem:s24+$0x50]  }
0x13c: {  	v35 =	vadd.f32 v45, v47;
	v45 =	vmul.f32 v27, v27;
	v47 =	vmul.f32 v18, v37  }
.Ltmp2:
0x13d: {  	v27 =	vadd.f32 v54, v36;
	v42 =	vadd.f32 v38, v42;
	v32 =	vmul.f32 v37, v37;
	(pc) =	sbr.rel @p0 .LBB2_7-.Ltmp2, $4  }
0x13e: {  	v34 =	vadd.f32 v45, v34;
	v37 =	vadd.f32 v41, v51;
	v41 =	vmul.f32 v40, v40  }
0x13f: {  	v38 =	vmul.f32 v39, v31;
	v44 =	vadd.f32 v44, v50;
	v36 =	vmul.f32 v24, v47  }
0x140: {  	v31 =	vadd.f32 v43, v42;
	v34 =	vadd.f32 v41, v34;
	v40 =	vmul.f32 v25, v33  }
0x141: {  	v28 =	vmul.f32 v28, v28;
	s17 =	sadd.s32 $0x100, s17;
	v39 =	vadd.f32 v48, v49;
	v33 =	vadd.f32 v46, v44  }
0x142: {  	v29 =	vadd.f32 v38, v29  }
0x143: {  	v26 =	vadd.f32 v40, v26;
	v19 =	vadd.f32 v19, v36  }
0x144: {  	v30 =	vadd.f32 v35, v30;
	v23 =	vadd.f32 v29, v23  }
0x145: {  	v55 =	vadd.f32 v39, v37;
	v19 =	vadd.f32 v19, v26  }
0x146: {  	v23 =	vadd.f32 v30, v23  }
0x147: {  	v19 =	vadd.f32 v19, v55  }
0x148: {  	(xrf2) =	vadd.scan.msk.f32 $0xffff, v23  }
0x149: {  	(xrf2) =	vadd.scan.msk.f32 $0xffff, v19;
	_ =	sdelay $0x8  }
0x14a: {  	v56, _, _ =	vpop (xrf2)  }
0x14b: {  	v57 =	vmov s4;
	s19 =	sadd.s32 $0x1, s4;
	v19 =	vbroadcast v56, $0xF;
	v58, _, _ =	vpop (xrf2)  }
0x14c: {  	vm0 =	veq.s32 v57, v0;
	v59 =	vmov s19;
	v26 =	vbroadcast v58, $0xF  }
0x14d: {  	vm15 =	veq.s32 v59, v0;
	v9 =	vsel vm0, v19, v9  }
0x14e: {  	v9 =	vsel vm15, v26, v9  }
0x14f: {  	v9 =	vmul.f32 v9, v1;
	_ =	sdelay $0x1  }
0x150: {  	v9 =	vadd.f32 v9, v2;
	_ =	sdelay $0x1  }
0x151: {  	v9 =	vsub.f32 $0.0e+00, v9;
	_ =	sdelay $0x1  }
0x152: {  	v9 =	vmul.f32 $1.442695020e+00, v9;
	_ =	sdelay $0x1  }
0x153: {  	(erf) = vpow2.f32 v9;
	_ =	sdelay $0x7  }
0x154: {  	v60 =	vmul.f32 v21, v21;
	v17 =	vmul.f32 v17, v17  }
0x155: {  	v61 =	vadd.f32 v32, v34;
	v13 =	vmul.f32 v13, v13;
	v16 =	vmul.f32 v16, v16;
	v62 =	vpop (erf)  }
0x156: {  	v22 =	vadd.f32 v22, v27;
	v4 =	vmul.f32 v4, v4;
	v21 =	vadd.f32 $1.000000000e+00, v62  }
0x157: {  	v11 =	vmul.f32 v11, v11;
	v20 =	vmul.f32 v20, v20;
	v17 =	vadd.f32 v17, v31  }
0x158: {  	v14 =	vmul.f32 v14, v14;
	v15 =	vadd.f32 v15, v22;
	(erf) = vrcp.f32 v21  }
0x159: {  	v63 =	vadd.f32 v28, v61;
	v4 =	vadd.f32 v4, v17;
	v9 =	vmul.f32 v18, v18  }
0x15a: {  	v7 =	vmul.f32 v7, v7;
	v12 =	vmul.f32 v12, v12;
	v11 =	vadd.f32 v11, v15  }
0x15b: {  	v3 =	vmul.f32 v3, v3;
	v4 =	vadd.f32 v14, v4;
	v9 =	vadd.f32 v9, v63  }
0x15c: {  	v10 =	vmul.f32 v10, v10;
	s24 =	sshll.u32 s3, $0x4;
	s3 =	sadd.s32 $0x1, s3;
	v7 =	vadd.f32 v7, v11;
	v18 =	vadd.f32 v60, v33  }
0x15d: {  	v5 =	vmul.f32 v5, v5;
	p0 =	sne.s32 s3, $0x8;
	v4 =	vadd.f32 v12, v4;
	v9 =	vadd.f32 v20, v9  }
.Ltmp3:
0x15e: {  	v3 =	vadd.f32 v3, v7;
	v7 =	vmul.f32 v8, v8;
	v13 =	vadd.f32 v13, v18;
	(pc) =	sbr.rel @p0 .LBB2_6-.Ltmp3, $4  }
0x15f: {  	v14 =	vmul.f32 v25, v25;
	v12 =	vmul.f32 v24, v24;
	v4 =	vadd.f32 v10, v4  }
0x160: {  	v3 =	vadd.f32 v7, v3;
	v7 =	vmul.f32 v6, v6;
	v11 =	vadd.f32 v16, v13  }
0x161: {  	s4 =	sand.u32 $0x3FFFFFF0, s24;
	v6 =	vadd.f32 v5, v4;
	v10 =	vadd.f32 v12, v9;
	v9 =	vpop (erf)  }
0x162: {  	s30 =	sadd.s32 $0x800, s30;
	s31 =	sadd.s32 $0x800, s31;
	s0 =	sadd.s32 $0x800, s0;
	v13 =	vadd.f32 v7, v3;
	v8 =	vadd.f32 v14, v11;
	[tilespmem:s4+$0x18680] =	vst v9  }
0x163: {  	_ =	swait.ge [sflag:s22], $0x4000  }
0x164: {  	[sflag:s22] =	ssyncset.done $0x0  }
0x165: {  	[sflag:s22] =	ssyncadd.s32 $0xFFFFC000  }
0x166: {  	_ =	swait.ge [sflag:s22], $0x4000  }
0x167: {  	[sflag:s22] =	ssyncset.done $0x0  }
0x168: {  	[sflag:s22] =	ssyncadd.s32 $0xFFFFC000  }
0x169: {  	_ =	swait.ge [sflag:s22], $0x4000  }
0x16a: {  	[sflag:s22] =	ssyncset.done $0x0  }
0x16b: {  	s0 =	simm.s32 $0x180;
	[sflag:s22] =	ssyncadd.s32 $0xFFFFC000  }
0x16c: {  	[tilespmem:s23], [sflag:$0x2] =	stream.indirect.gather [hbm4b:s1+s18], $0x80, s0, s18, $0xb8;
	[tilespmem:$0x18980] =	vst v63  }
0x16d: {  	s19 =	simm.s32 $0x380;
	s24 =	simm.s32 $0x580;
	s3 =	simm.s32 $0x0  }
0x16e: {  	[tilespmem:s25], [sflag:$0x2] =	stream.indirect.gather [hbm4b:s2+s18], $0x80, s19, s18, $0xb8;
	[tilespmem:$0x18980] =	vst v63  }
0x16f: {  	s30 =	simm.s32 $0x8680;
	s31 =	simm.s32 $0x4680;
	s0 =	simm.s32 $0x680  }
0x170: {  	[tilespmem:s28], [sflag:$0x2] =	stream.indirect.gather [hbm4b:s1+s18], $0x80, s24, s18, $0xb8;
	[tilespmem:$0x18980] =	vst v63  }
.LBB2_10:
0x171: {  	v3 =	vld [tilespmem:s30+$0x70]  }
0x172: {  	v15 =	vld [tilespmem:s0+$0x30]  }
0x173: {  	v4 =	vld [tilespmem:s0+$0x40]  }
0x174: {  	v14 =	vld [tilespmem:s31+$0xFFFFFF90]  }
0x175: {  	v16 =	vld [tilespmem:s30+$0xFFFFFF90]  }
0x176: {  	v18 =	vld [tilespmem:s31+$0xFFFFFFA0]  }
0x177: {  	v17 =	vld [tilespmem:s0+$0xFFFFFF90]  }
0x178: {  	v19 =	vld [tilespmem:s0+$0xFFFFFFA0]  }
0x179: {  	v20 =	vld [tilespmem:s0+$0xFFFFFFB0]  }
0x17a: {  	v21 =	vld [tilespmem:s0+$0xFFFFFFC0]  }
0x17b: {  	v5 =	vld [tilespmem:s0+$0xFFFFFFE0]  }
0x17c: {  	v9 =	vld [tilespmem:s30+$0xFFFFFF80]  }
0x17d: {  	v11 =	vld [tilespmem:s30+$0xFFFFFFF0]  }
0x17e: {  	v24 =	vld [tilespmem:s30+$0xFFFFFFB0]  }
0x17f: {  	v25 =	vld [tilespmem:s30+$0xFFFFFFD0]  }
0x180: {  	v26 =	vld [tilespmem:s30+$0xFFFFFFE0]  }
0x181: {  	v12 =	vld [tilespmem:s0+$0xFFFFFF80]  }
0x182: {  	v23 =	vld [tilespmem:s0+$0xFFFFFFF0]  }
0x183: {  	v29 =	vld [tilespmem:s30+$0xFFFFFFC0];
	v30 =	vmul.f32 v5, v5;
	v31 =	vmul.f32 v20, v20  }
0x184: {  	v22 =	vld [tilespmem:s0+$0xFFFFFFD0];
	v33 =	vmul.f32 v9, v9;
	v34 =	vmul.f32 v24, v24  }
0x185: {  	v35 =	vld [tilespmem:s30+$0xFFFFFFA0];
	v36 =	vmul.f32 v25, v25;
	v37 =	vmul.f32 v26, v5  }
0x186: {  	v27 =	vld [tilespmem:s31+$0xFFFFFFF0];
	v38 =	vmul.f32 v12, v12;
	v39 =	vmul.f32 v11, v11  }
0x187: {  	v28 =	vld [tilespmem:s31+$0xFFFFFFE0];
	v40 =	vmul.f32 v9, v12;
	v9 =	vmul.f32 v11, v23  }
0x188: {  	v32 =	vld [tilespmem:s31+$0xFFFFFFD0];
	v42 =	vmul.f32 v29, v29;
	v44 =	vmul.f32 v29, v21  }
0x189: {  	v7 =	vld [tilespmem:s30+$0x30];
	v12 =	vmul.f32 v25, v22;
	v46 =	vmul.f32 v18, v18  }
0x18a: {  	v48 =	vld [tilespmem:s31+$0xFFFFFFB0];
	v29 =	vmul.f32 v35, v35;
	v21 =	vmul.f32 v21, v21  }
0x18b: {  	v43 =	vld [tilespmem:s31+$0xFFFFFFC0];
	v22 =	vmul.f32 v22, v22;
	v35 =	vmul.f32 v35, v19  }
0x18c: {  	v41 =	vld [tilespmem:s30+$0x20];
	v19 =	vmul.f32 v19, v19;
	v49 =	vmul.f32 v17, v17  }
0x18d: {  	v50 =	vld [tilespmem:s31+$0xFFFFFF80];
	v60 =	vmul.f32 v26, v26;
	v26 =	vmul.f32 v16, v16  }
0x18e: {  	v51 =	vld [tilespmem:s0+$0x10];
	v16 =	vmul.f32 v16, v17;
	v17 =	vmul.f32 v23, v23  }
0x18f: {  	v5 =	vld [tilespmem:s31+$0x40];
	v52 =	vmul.f32 v48, v48;
	v55 =	vmul.f32 v7, v15  }
0x190: {  	v25 =	vld [tilespmem:s0+$0x50];
	v15 =	vmul.f32 v15, v15;
	v57 =	vmul.f32 v43, v43  }
0x191: {  	v11 =	vld [tilespmem:s0+$0x70];
	v45 =	vmul.f32 v27, v9;
	v37 =	vmul.f32 v28, v37;
	v9 =	vimm.f32 $0.0e+00  }
0x192: {  	v47 =	vmul.f32 v32, v12;
	v12 =	vld [tilespmem:s30+$0x40];
	v38 =	vadd.f32 v38, v6;
	v10 =	vadd.f32 v19, v10  }
0x193: {  	v6 =	vld [tilespmem:s31+$0x70];
	v31 =	vadd.f32 v31, v13;
	v8 =	vadd.f32 v49, v8;
	v40 =	vmul.f32 v50, v40  }
0x194: {  	v49 =	vld [tilespmem:s0+$0x20];
	v28 =	vmul.f32 v28, v28;
	v21 =	vadd.f32 v21, v38;
	v10 =	vadd.f32 v30, v10  }
0x195: {  	v13 =	vld [tilespmem:s30+$0x50];
	v30 =	vmul.f32 v14, v16;
	v8 =	vadd.f32 v22, v8;
	v22 =	vmul.f32 v14, v14  }
0x196: {  	v31 =	vadd.f32 v17, v31;
	v17 =	vld [tilespmem:s0+$0x0];
	v19 =	vmul.f32 v3, v11;
	v56 =	vmul.f32 v25, v25  }
0x197: {  	v14 =	vld [tilespmem:s30+$0x0];
	v33 =	vadd.f32 v33, v21;
	v53 =	vadd.f32 v29, v10;
	v29 =	vmul.f32 v18, v35  }
0x198: {  	v16 =	vld [tilespmem:s31+$0x10];
	v8 =	vadd.f32 v26, v8;
	v18 =	vmul.f32 v32, v32;
	v23 =	vmul.f32 v12, v4  }
0x199: {  	v38 =	vld [tilespmem:s0+$0x60];
	v35 =	vadd.f32 v45, v37;
	v19 =	vmul.f32 v6, v19;
	v54 =	vmul.f32 v41, v49  }
0x19a: {  	v21 =	vld [tilespmem:s30+$0x10];
	v10 =	vadd.f32 v36, v8;
	v36 =	vmul.f32 v24, v20;
	v61 =	vadd.f32 v60, v53  }
0x19b: {  	v8 =	vld [tilespmem:s31+$0x30];
	v26 =	vmul.f32 v5, v23;
	v23 =	vadd.f32 v30, v40;
	v40 =	vmul.f32 v13, v25  }
0x19c: {  	v20 =	vld [tilespmem:s31+$0x20];
	v63 =	vmul.f32 v14, v17;
	v25 =	vadd.f32 v34, v31;
	v31 =	vadd.f32 v42, v33  }
0x19d: {  	v24 =	vadd.f32 v22, v10;
	v22 =	vmul.f32 v27, v27;
	v10 =	vld [tilespmem:s31+$0x0];
	v27 =	vmul.f32 v43, v44  }
0x19e: {  	v32 =	vmul.f32 v38, v38;
	v46 =	vadd.f32 v46, v61;
	v59 =	vadd.f32 v39, v25;
	v25 =	vld [tilespmem:s31+$0x50]  }
0x19f: {  	v44 =	vadd.f32 v18, v24;
	v18 =	vld [tilespmem:s30+$0x60];
	v30 =	vadd.f32 v47, v27;
	v27 =	vmul.f32 v50, v50  }
0x1a0: {  	v61 =	vmul.f32 v51, v51;
	v62 =	vmul.f32 v21, v51;
	v28 =	vadd.f32 v28, v46  }
0x1a1: {  	v24 =	vld [tilespmem:s31+$0x60];
	v47 =	vmul.f32 v8, v55;
	v55 =	vmul.f32 v20, v54;
	v31 =	vadd.f32 v27, v31  }
0x1a2: {  	v60 =	vmul.f32 v16, v62;
	v27 =	vadd.f32 v52, v59;
	v42 =	vadd.f32 v61, v44  }
0x1a3: {  	v58 =	vmul.f32 v10, v63;
	v63 =	vmul.f32 v49, v49;
	v39 =	vadd.f32 v47, v55  }
0x1a4: {  	v31 =	vadd.f32 v57, v31;
	v40 =	vmul.f32 v25, v40;
	v62 =	vmul.f32 v18, v38  }
0x1a5: {  	s16 =	simm.s32 $0x2;
	s17 =	sadd.s32 $0x100, s30;
	v33 =	vadd.f32 v56, v42;
	v37 =	vadd.f32 v60, v58;
	v38 =	vmul.f32 v48, v36  }
0x1a6: {  	s24 =	smov.u32 s31;
	s14 =	smov.u32 s0;
	s4 =	simm.s32 $0x0;
	v34 =	vadd.f32 v63, v28;
	v28 =	vmul.f32 v41, v41;
	v36 =	vmul.f32 v24, v62  }
.LBB2_11:
0x1a7: {  	v41 =	vld [tilespmem:s17+$0x70];
	p0 =	slt.u32 s16, $0xE;
	v29 =	vadd.f32 v38, v29;
	v26 =	vadd.f32 v40, v26;
	v38 =	vmul.f32 v18, v18;
	s24 =	sadd.s32 $0x100, s24;
	s14 =	sadd.s32 $0x100, s14  }
0x1a8: {  	v30 =	vadd.f32 v35, v30;
	s15 =	smov.u32 s16;
	s16 =	sadd.s32 $0x2, s16;
	v18 =	vld [tilespmem:s14+$0x30];
	v35 =	vadd.f32 v39, v37;
	v37 =	vmul.f32 v21, v21  }
0x1a9: {  	v17 =	vmul.f32 v17, v17;
	v39 =	vld [tilespmem:s14+$0x40];
	v23 =	vadd.f32 v29, v23;
	v29 =	vadd.f32 v32, v34  }
0x1aa: {  	v19 =	vadd.f32 v19, v36;
	v13 =	vmul.f32 v13, v13;
	v32 =	vmul.f32 v16, v16;
	v21 =	vld [tilespmem:s24+$0xFFFFFF90]  }
0x1ab: {  	v34 =	vmul.f32 v4, v4;
	v33 =	vadd.f32 v37, v33;
	v16 =	vld [tilespmem:s17+$0xFFFFFF90];
	v30 =	vadd.f32 v30, v23  }
0x1ac: {  	v19 =	vadd.f32 v19, v26;
	v26 =	vadd.f32 v17, v31;
	v31 =	vmul.f32 v20, v20;
	v23 =	vld [tilespmem:s24+$0xFFFFFFA0]  }
0x1ad: {  	v22 =	vadd.f32 v22, v27;
	v14 =	vmul.f32 v14, v14;
	v27 =	vadd.f32 v28, v29;
	v17 =	vld [tilespmem:s14+$0xFFFFFF90];
	(xrf2) =	vadd.scan.msk.f32 $0xffff, v30  }
0x1ae: {  	v25 =	vmul.f32 v25, v25;
	v24 =	vmul.f32 v24, v24;
	v13 =	vadd.f32 v13, v33;
	v29 =	vld [tilespmem:s14+$0xFFFFFFA0];
	v4 =	vmovc v39  }
0x1af: {  	v12 =	vmul.f32 v12, v12;
	v26 =	vadd.f32 v34, v26;
	v27 =	vadd.f32 v38, v27;
	v20 =	vld [tilespmem:s14+$0xFFFFFFB0]  }
0x1b0: {  	v11 =	vmul.f32 v11, v11;
	v15 =	vadd.f32 v15, v22;
	v13 =	vadd.f32 v32, v13;
	v30 =	vld [tilespmem:s14+$0xFFFFFFC0]  }
0x1b1: {  	v10 =	vmul.f32 v10, v10;
	v14 =	vadd.f32 v14, v26;
	v26 =	vadd.f32 v31, v27;
	v22 =	vld [tilespmem:s14+$0xFFFFFFD0]  }
0x1b2: {  	v7 =	vmul.f32 v7, v7;
	v11 =	vadd.f32 v11, v15;
	v28 =	vld [tilespmem:s14+$0xFFFFFFE0]  }
0x1b3: {  	v19 =	vadd.f32 v19, v35;
	v12 =	vadd.f32 v12, v14;
	v15 =	vld [tilespmem:s14+$0xFFFFFFF0]  }
0x1b4: {  	v7 =	vadd.f32 v7, v11;
	v25 =	vadd.f32 v25, v13;
	v14 =	vld [tilespmem:s17+$0xFFFFFF80]  }
0x1b5: {  	v27 =	vmul.f32 v5, v5;
	v10 =	vadd.f32 v10, v12;
	v24 =	vadd.f32 v24, v26;
	v11 =	vld [tilespmem:s17+$0xFFFFFFF0];
	(xrf2) =	vadd.scan.msk.f32 $0xffff, v19  }
0x1b6: {  	v12 =	vld [tilespmem:s14+$0xFFFFFF80]  }
0x1b7: {  	v13 =	vmul.f32 v3, v3;
	v3 =	vmov v41;
	v10 =	vadd.f32 v27, v10;
	v31 =	vld [tilespmem:s17+$0xFFFFFFB0];
	v5, _, _ =	vpop (xrf2)  }
0x1b8: {  	v19 =	vld [tilespmem:s17+$0xFFFFFFD0];
	v5 =	vbroadcast v5, $0xF  }
0x1b9: {  	v8 =	vmul.f32 v8, v8;
	v7 =	vadd.f32 v13, v7;
	v32 =	vmul.f32 v28, v28;
	v26 =	vld [tilespmem:s17+$0xFFFFFFE0]  }
0x1ba: {  	v34 =	vmov s4;
	v13 =	vmul.f32 v20, v20;
	v33 =	vld [tilespmem:s24+$0xFFFFFFF0]  }
0x1bb: {  	v6 =	vmul.f32 v6, v6;
	v7 =	vadd.f32 v8, v7;
	v35 =	vmul.f32 v14, v14;
	v27 =	vld [tilespmem:s24+$0xFFFFFFE0]  }
0x1bc: {  	vm0 =	veq.s32 v34, v0;
	v8 =	vld [tilespmem:s17+$0xFFFFFFC0];
	v36 =	vmul.f32 v31, v31  }
0x1bd: {  	v38 =	vadd.f32 v6, v7;
	v9 =	vsel vm0, v5, v9;
	v34 =	vld [tilespmem:s24+$0xFFFFFFD0];
	v37 =	vmul.f32 v19, v19  }
0x1be: {  	s19 =	sadd.s32 $0x1, s4;
	s4 =	smov.u32 s15;
	v40 =	vmul.f32 v12, v12;
	v39 =	vld [tilespmem:s17+$0xFFFFFFA0];
	v6 =	vmul.f32 v26, v28  }
0x1bf: {  	v41 =	vmul.f32 v11, v11;
	v5 =	vmov s19;
	v7 =	vld [tilespmem:s17+$0x30];
	v42, _, _ =	vpop (xrf2)  }
0x1c0: {  	v14 =	vmul.f32 v14, v12;
	vm0 =	veq.s32 v5, v0;
	v28 =	vld [tilespmem:s17+$0x20];
	v12 =	vbroadcast v42, $0xF  }
0x1c1: {  	v11 =	vmul.f32 v11, v15;
	v42 =	vmul.f32 v8, v8;
	v5 =	vld [tilespmem:s24+$0x40]  }
0x1c2: {  	v44 =	vmul.f32 v8, v30;
	v43 =	vld [tilespmem:s24+$0xFFFFFFC0];
	v9 =	vsel vm0, v12, v9  }
0x1c3: {  	v45 =	vmul.f32 v33, v11;
	v8 =	vmul.f32 v19, v22;
	v46 =	vld [tilespmem:s14+$0x50]  }
0x1c4: {  	v48 =	vmul.f32 v23, v23;
	v47 =	vmul.f32 v27, v6;
	v11 =	vld [tilespmem:s14+$0x70]  }
0x1c5: {  	v49 =	vmul.f32 v34, v8;
	v8 =	vadd.f32 v40, v10;
	v10 =	vmul.f32 v39, v39;
	v12 =	vld [tilespmem:s17+$0x40]  }
0x1c6: {  	v19 =	vmul.f32 v30, v30;
	v22 =	vmul.f32 v22, v22;
	v6 =	vld [tilespmem:s24+$0x70]  }
0x1c7: {  	v38 =	vadd.f32 v13, v38;
	v30 =	vmul.f32 v39, v29;
	v29 =	vmul.f32 v29, v29;
	v13 =	vld [tilespmem:s17+$0x50]  }
0x1c8: {  	v50 =	vmul.f32 v26, v26;
	v40 =	vmul.f32 v17, v17;
	v8 =	vadd.f32 v19, v8;
	v39 =	vld [tilespmem:s24+$0xFFFFFFB0]  }
0x1c9: {  	v19 =	vadd.f32 v29, v24;
	v24 =	vmul.f32 v16, v16;
	v51 =	vld [tilespmem:s24+$0xFFFFFF80];
	v26 =	vmul.f32 v3, v11  }
0x1ca: {  	v15 =	vmul.f32 v15, v15;
	v16 =	vmul.f32 v16, v17;
	v17 =	vadd.f32 v40, v25;
	v40 =	vld [tilespmem:s14+$0x20]  }
0x1cb: {  	v25 =	vadd.f32 v32, v19;
	v29 =	vmul.f32 v12, v4;
	v32 =	vld [tilespmem:s14+$0x10];
	v19 =	vmul.f32 v6, v26  }
0x1cc: {  	v38 =	vadd.f32 v15, v38;
	v52 =	vmul.f32 v21, v16;
	v22 =	vadd.f32 v22, v17;
	v17 =	vld [tilespmem:s14+$0x0]  }
0x1cd: {  	v53 =	vmul.f32 v21, v21;
	v35 =	vadd.f32 v35, v8;
	v54 =	vmul.f32 v39, v39;
	v16 =	vld [tilespmem:s24+$0x10]  }
0x1ce: {  	v8 =	vadd.f32 v24, v22;
	v26 =	vmul.f32 v5, v29;
	v55 =	vmul.f32 v51, v14;
	v21 =	vld [tilespmem:s17+$0x10]  }
0x1cf: {  	v56 =	vmul.f32 v7, v18;
	v24 =	vadd.f32 v10, v25;
	v14 =	vld [tilespmem:s17+$0x0];
	v25 =	vmul.f32 v28, v40  }
0x1d0: {  	v15 =	vmul.f32 v18, v18;
	v10 =	vadd.f32 v37, v8;
	v29 =	vmul.f32 v23, v30;
	v8 =	vld [tilespmem:s24+$0x30]  }
0x1d1: {  	v31 =	vmul.f32 v31, v20;
	v18 =	vmul.f32 v34, v34;
	v23 =	vadd.f32 v52, v55;
	v20 =	vld [tilespmem:s24+$0x20]  }
0x1d2: {  	v22 =	vmul.f32 v33, v33;
	v33 =	vmul.f32 v13, v46;
	v30 =	vadd.f32 v53, v10;
	v10 =	vld [tilespmem:s24+$0x0]  }
0x1d3: {  	v34 =	vmul.f32 v43, v44;
	v24 =	vadd.f32 v50, v24;
	v37 =	vld [tilespmem:s14+$0x60];
	v44 =	vmul.f32 v21, v32  }
0x1d4: {  	v46 =	vmul.f32 v46, v46;
	v50 =	vadd.f32 v18, v30;
	v18 =	vld [tilespmem:s17+$0x60];
	v52 =	vmul.f32 v14, v17  }
0x1d5: {  	v30 =	vadd.f32 v49, v34;
	v34 =	vadd.f32 v48, v24;
	v48 =	vmul.f32 v8, v56  }
0x1d6: {  	v36 =	vadd.f32 v36, v38;
	v38 =	vmul.f32 v51, v51;
	v49 =	vmul.f32 v20, v25  }
0x1d7: {  	v43 =	vmul.f32 v43, v43;
	v42 =	vadd.f32 v42, v35;
	v24 =	vld [tilespmem:s24+$0x60];
	v51 =	vmul.f32 v10, v52  }
0x1d8: {  	v36 =	vadd.f32 v41, v36;
	v41 =	vmul.f32 v16, v44;
	v44 =	vmul.f32 v32, v32;
	v25 =	vld [tilespmem:s24+$0x50]  }
0x1d9: {  	v35 =	vadd.f32 v45, v47;
	v45 =	vmul.f32 v27, v27;
	v47 =	vmul.f32 v18, v37  }
.Ltmp4:
0x1da: {  	v27 =	vadd.f32 v54, v36;
	v42 =	vadd.f32 v38, v42;
	v32 =	vmul.f32 v37, v37;
	(pc) =	sbr.rel @p0 .LBB2_11-.Ltmp4, $4  }
0x1db: {  	v34 =	vadd.f32 v45, v34;
	v37 =	vadd.f32 v41, v51;
	v41 =	vmul.f32 v40, v40  }
0x1dc: {  	v38 =	vmul.f32 v39, v31;
	v44 =	vadd.f32 v44, v50;
	v36 =	vmul.f32 v24, v47  }
0x1dd: {  	v31 =	vadd.f32 v43, v42;
	v34 =	vadd.f32 v41, v34;
	v40 =	vmul.f32 v25, v33  }
0x1de: {  	v28 =	vmul.f32 v28, v28;
	s17 =	sadd.s32 $0x100, s17;
	v39 =	vadd.f32 v48, v49;
	v33 =	vadd.f32 v46, v44  }
0x1df: {  	v29 =	vadd.f32 v38, v29  }
0x1e0: {  	v26 =	vadd.f32 v40, v26;
	v19 =	vadd.f32 v19, v36  }
0x1e1: {  	v30 =	vadd.f32 v35, v30;
	v23 =	vadd.f32 v29, v23  }
0x1e2: {  	v55 =	vadd.f32 v39, v37;
	v19 =	vadd.f32 v19, v26  }
0x1e3: {  	v23 =	vadd.f32 v30, v23  }
0x1e4: {  	v19 =	vadd.f32 v19, v55  }
0x1e5: {  	(xrf2) =	vadd.scan.msk.f32 $0xffff, v23  }
0x1e6: {  	(xrf2) =	vadd.scan.msk.f32 $0xffff, v19;
	_ =	sdelay $0x8  }
0x1e7: {  	v56, _, _ =	vpop (xrf2)  }
0x1e8: {  	v57 =	vmov s4;
	s19 =	sadd.s32 $0x1, s4;
	v19 =	vbroadcast v56, $0xF;
	v58, _, _ =	vpop (xrf2)  }
0x1e9: {  	vm0 =	veq.s32 v57, v0;
	v59 =	vmov s19;
	v26 =	vbroadcast v58, $0xF  }
0x1ea: {  	vm15 =	veq.s32 v59, v0;
	v9 =	vsel vm0, v19, v9  }
0x1eb: {  	v9 =	vsel vm15, v26, v9  }
0x1ec: {  	v9 =	vmul.f32 v9, v1;
	_ =	sdelay $0x1  }
0x1ed: {  	v9 =	vadd.f32 v9, v2;
	_ =	sdelay $0x1  }
0x1ee: {  	v9 =	vsub.f32 $0.0e+00, v9;
	_ =	sdelay $0x1  }
0x1ef: {  	v9 =	vmul.f32 $1.442695020e+00, v9;
	_ =	sdelay $0x1  }
0x1f0: {  	(erf) = vpow2.f32 v9;
	_ =	sdelay $0x7  }
0x1f1: {  	v60 =	vmul.f32 v21, v21;
	v17 =	vmul.f32 v17, v17  }
0x1f2: {  	v61 =	vadd.f32 v32, v34;
	v13 =	vmul.f32 v13, v13;
	v16 =	vmul.f32 v16, v16;
	v62 =	vpop (erf)  }
0x1f3: {  	v22 =	vadd.f32 v22, v27;
	v4 =	vmul.f32 v4, v4;
	v21 =	vadd.f32 $1.000000000e+00, v62  }
0x1f4: {  	v11 =	vmul.f32 v11, v11;
	v20 =	vmul.f32 v20, v20;
	v17 =	vadd.f32 v17, v31  }
0x1f5: {  	v14 =	vmul.f32 v14, v14;
	v15 =	vadd.f32 v15, v22;
	(erf) = vrcp.f32 v21  }
0x1f6: {  	v63 =	vadd.f32 v28, v61;
	v4 =	vadd.f32 v4, v17;
	v9 =	vmul.f32 v18, v18  }
0x1f7: {  	v7 =	vmul.f32 v7, v7;
	v12 =	vmul.f32 v12, v12;
	v11 =	vadd.f32 v11, v15  }
0x1f8: {  	v3 =	vmul.f32 v3, v3;
	v4 =	vadd.f32 v14, v4;
	v9 =	vadd.f32 v9, v63  }
0x1f9: {  	v10 =	vmul.f32 v10, v10;
	s24 =	sshll.u32 s3, $0x4;
	s3 =	sadd.s32 $0x1, s3;
	v7 =	vadd.f32 v7, v11;
	v18 =	vadd.f32 v60, v33  }
0x1fa: {  	v5 =	vmul.f32 v5, v5;
	p0 =	sne.s32 s3, $0x8;
	v4 =	vadd.f32 v12, v4;
	v9 =	vadd.f32 v20, v9  }
.Ltmp5:
0x1fb: {  	v3 =	vadd.f32 v3, v7;
	v7 =	vmul.f32 v8, v8;
	v13 =	vadd.f32 v13, v18;
	(pc) =	sbr.rel @p0 .LBB2_10-.Ltmp5, $4  }
0x1fc: {  	v14 =	vmul.f32 v25, v25;
	v12 =	vmul.f32 v24, v24;
	v4 =	vadd.f32 v10, v4  }
0x1fd: {  	v3 =	vadd.f32 v7, v3;
	v7 =	vmul.f32 v6, v6;
	v11 =	vadd.f32 v16, v13  }
0x1fe: {  	s4 =	sand.u32 $0x3FFFFFF0, s24;
	v6 =	vadd.f32 v5, v4;
	v10 =	vadd.f32 v12, v9;
	v9 =	vpop (erf)  }
0x1ff: {  	s30 =	sadd.s32 $0x800, s30;
	s31 =	sadd.s32 $0x800, s31;
	s0 =	sadd.s32 $0x800, s0;
	v13 =	vadd.f32 v7, v3;
	v8 =	vadd.f32 v14, v11;
	[tilespmem:s4+$0x18700] =	vst v9  }
0x200: {  	_ =	swait.ge [sflag:s29], $0x4000  }
0x201: {  	[sflag:s29] =	ssyncset.done $0x0  }
0x202: {  	[sflag:s29] =	ssyncadd.s32 $0xFFFFC000  }
0x203: {  	_ =	swait.ge [sflag:s29], $0x4000  }
0x204: {  	[sflag:s29] =	ssyncset.done $0x0  }
0x205: {  	[sflag:s29] =	ssyncadd.s32 $0xFFFFC000  }
0x206: {  	_ =	swait.ge [sflag:s29], $0x4000  }
0x207: {  	s3 =	simm.s32 $0x0;
	s30 =	simm.s32 $0x14680;
	[sflag:s29] =	ssyncset.done $0x0  }
0x208: {  	s31 =	simm.s32 $0x10680;
	s0 =	simm.s32 $0xC680;
	[sflag:s29] =	ssyncadd.s32 $0xFFFFC000  }
.LBB2_14:
0x209: {  	v3 =	vld [tilespmem:s30+$0x70]  }
0x20a: {  	v15 =	vld [tilespmem:s0+$0x30]  }
0x20b: {  	v4 =	vld [tilespmem:s0+$0x40]  }
0x20c: {  	v14 =	vld [tilespmem:s31+$0xFFFFFF90]  }
0x20d: {  	v16 =	vld [tilespmem:s30+$0xFFFFFF90]  }
0x20e: {  	v18 =	vld [tilespmem:s31+$0xFFFFFFA0]  }
0x20f: {  	v17 =	vld [tilespmem:s0+$0xFFFFFF90]  }
0x210: {  	v19 =	vld [tilespmem:s0+$0xFFFFFFA0]  }
0x211: {  	v20 =	vld [tilespmem:s0+$0xFFFFFFB0]  }
0x212: {  	v21 =	vld [tilespmem:s0+$0xFFFFFFC0]  }
0x213: {  	v5 =	vld [tilespmem:s0+$0xFFFFFFE0]  }
0x214: {  	v9 =	vld [tilespmem:s30+$0xFFFFFF80]  }
0x215: {  	v11 =	vld [tilespmem:s30+$0xFFFFFFF0]  }
0x216: {  	v24 =	vld [tilespmem:s30+$0xFFFFFFB0]  }
0x217: {  	v25 =	vld [tilespmem:s30+$0xFFFFFFD0]  }
0x218: {  	v26 =	vld [tilespmem:s30+$0xFFFFFFE0]  }
0x219: {  	v12 =	vld [tilespmem:s0+$0xFFFFFF80]  }
0x21a: {  	v23 =	vld [tilespmem:s0+$0xFFFFFFF0]  }
0x21b: {  	v29 =	vld [tilespmem:s30+$0xFFFFFFC0];
	v30 =	vmul.f32 v5, v5;
	v31 =	vmul.f32 v20, v20  }
0x21c: {  	v22 =	vld [tilespmem:s0+$0xFFFFFFD0];
	v33 =	vmul.f32 v9, v9;
	v34 =	vmul.f32 v24, v24  }
0x21d: {  	v35 =	vld [tilespmem:s30+$0xFFFFFFA0];
	v36 =	vmul.f32 v25, v25;
	v37 =	vmul.f32 v26, v5  }
0x21e: {  	v27 =	vld [tilespmem:s31+$0xFFFFFFF0];
	v38 =	vmul.f32 v12, v12;
	v39 =	vmul.f32 v11, v11  }
0x21f: {  	v28 =	vld [tilespmem:s31+$0xFFFFFFE0];
	v40 =	vmul.f32 v9, v12;
	v9 =	vmul.f32 v11, v23  }
0x220: {  	v32 =	vld [tilespmem:s31+$0xFFFFFFD0];
	v42 =	vmul.f32 v29, v29;
	v44 =	vmul.f32 v29, v21  }
0x221: {  	v7 =	vld [tilespmem:s30+$0x30];
	v12 =	vmul.f32 v25, v22;
	v46 =	vmul.f32 v18, v18  }
0x222: {  	v48 =	vld [tilespmem:s31+$0xFFFFFFB0];
	v29 =	vmul.f32 v35, v35;
	v21 =	vmul.f32 v21, v21  }
0x223: {  	v43 =	vld [tilespmem:s31+$0xFFFFFFC0];
	v22 =	vmul.f32 v22, v22;
	v35 =	vmul.f32 v35, v19  }
0x224: {  	v41 =	vld [tilespmem:s30+$0x20];
	v19 =	vmul.f32 v19, v19;
	v49 =	vmul.f32 v17, v17  }
0x225: {  	v50 =	vld [tilespmem:s31+$0xFFFFFF80];
	v60 =	vmul.f32 v26, v26;
	v26 =	vmul.f32 v16, v16  }
0x226: {  	v51 =	vld [tilespmem:s0+$0x10];
	v16 =	vmul.f32 v16, v17;
	v17 =	vmul.f32 v23, v23  }
0x227: {  	v5 =	vld [tilespmem:s31+$0x40];
	v52 =	vmul.f32 v48, v48;
	v55 =	vmul.f32 v7, v15  }
0x228: {  	v25 =	vld [tilespmem:s0+$0x50];
	v15 =	vmul.f32 v15, v15;
	v57 =	vmul.f32 v43, v43  }
0x229: {  	v11 =	vld [tilespmem:s0+$0x70];
	v45 =	vmul.f32 v27, v9;
	v37 =	vmul.f32 v28, v37;
	v9 =	vimm.f32 $0.0e+00  }
0x22a: {  	v47 =	vmul.f32 v32, v12;
	v12 =	vld [tilespmem:s30+$0x40];
	v38 =	vadd.f32 v38, v6;
	v10 =	vadd.f32 v19, v10  }
0x22b: {  	v6 =	vld [tilespmem:s31+$0x70];
	v31 =	vadd.f32 v31, v13;
	v8 =	vadd.f32 v49, v8;
	v40 =	vmul.f32 v50, v40  }
0x22c: {  	v49 =	vld [tilespmem:s0+$0x20];
	v28 =	vmul.f32 v28, v28;
	v21 =	vadd.f32 v21, v38;
	v10 =	vadd.f32 v30, v10  }
0x22d: {  	v13 =	vld [tilespmem:s30+$0x50];
	v30 =	vmul.f32 v14, v16;
	v8 =	vadd.f32 v22, v8;
	v22 =	vmul.f32 v14, v14  }
0x22e: {  	v31 =	vadd.f32 v17, v31;
	v17 =	vld [tilespmem:s0+$0x0];
	v19 =	vmul.f32 v3, v11;
	v56 =	vmul.f32 v25, v25  }
0x22f: {  	v14 =	vld [tilespmem:s30+$0x0];
	v33 =	vadd.f32 v33, v21;
	v53 =	vadd.f32 v29, v10;
	v29 =	vmul.f32 v18, v35  }
0x230: {  	v16 =	vld [tilespmem:s31+$0x10];
	v8 =	vadd.f32 v26, v8;
	v18 =	vmul.f32 v32, v32;
	v23 =	vmul.f32 v12, v4  }
0x231: {  	v38 =	vld [tilespmem:s0+$0x60];
	v35 =	vadd.f32 v45, v37;
	v19 =	vmul.f32 v6, v19;
	v54 =	vmul.f32 v41, v49  }
0x232: {  	v21 =	vld [tilespmem:s30+$0x10];
	v10 =	vadd.f32 v36, v8;
	v36 =	vmul.f32 v24, v20;
	v61 =	vadd.f32 v60, v53  }
0x233: {  	v8 =	vld [tilespmem:s31+$0x30];
	v26 =	vmul.f32 v5, v23;
	v23 =	vadd.f32 v30, v40;
	v40 =	vmul.f32 v13, v25  }
0x234: {  	v20 =	vld [tilespmem:s31+$0x20];
	v63 =	vmul.f32 v14, v17;
	v25 =	vadd.f32 v34, v31;
	v31 =	vadd.f32 v42, v33  }
0x235: {  	v24 =	vadd.f32 v22, v10;
	v22 =	vmul.f32 v27, v27;
	v10 =	vld [tilespmem:s31+$0x0];
	v27 =	vmul.f32 v43, v44  }
0x236: {  	v32 =	vmul.f32 v38, v38;
	v46 =	vadd.f32 v46, v61;
	v59 =	vadd.f32 v39, v25;
	v25 =	vld [tilespmem:s31+$0x50]  }
0x237: {  	v44 =	vadd.f32 v18, v24;
	v18 =	vld [tilespmem:s30+$0x60];
	v30 =	vadd.f32 v47, v27;
	v27 =	vmul.f32 v50, v50  }
0x238: {  	v61 =	vmul.f32 v51, v51;
	v62 =	vmul.f32 v21, v51;
	v28 =	vadd.f32 v28, v46  }
0x239: {  	v24 =	vld [tilespmem:s31+$0x60];
	v47 =	vmul.f32 v8, v55;
	v55 =	vmul.f32 v20, v54;
	v31 =	vadd.f32 v27, v31  }
0x23a: {  	v60 =	vmul.f32 v16, v62;
	v27 =	vadd.f32 v52, v59;
	v42 =	vadd.f32 v61, v44  }
0x23b: {  	v58 =	vmul.f32 v10, v63;
	v63 =	vmul.f32 v49, v49;
	v39 =	vadd.f32 v47, v55  }
0x23c: {  	v31 =	vadd.f32 v57, v31;
	v40 =	vmul.f32 v25, v40;
	v62 =	vmul.f32 v18, v38  }
0x23d: {  	s16 =	simm.s32 $0x2;
	s17 =	sadd.s32 $0x100, s30;
	v33 =	vadd.f32 v56, v42;
	v37 =	vadd.f32 v60, v58;
	v38 =	vmul.f32 v48, v36  }
0x23e: {  	s24 =	smov.u32 s31;
	s14 =	smov.u32 s0;
	s4 =	simm.s32 $0x0;
	v34 =	vadd.f32 v63, v28;
	v28 =	vmul.f32 v41, v41;
	v36 =	vmul.f32 v24, v62  }
.LBB2_15:
0x23f: {  	v41 =	vld [tilespmem:s17+$0x70];
	p0 =	slt.u32 s16, $0xE;
	v29 =	vadd.f32 v38, v29;
	v26 =	vadd.f32 v40, v26;
	v38 =	vmul.f32 v18, v18;
	s24 =	sadd.s32 $0x100, s24;
	s14 =	sadd.s32 $0x100, s14  }
0x240: {  	v30 =	vadd.f32 v35, v30;
	s15 =	smov.u32 s16;
	s16 =	sadd.s32 $0x2, s16;
	v18 =	vld [tilespmem:s14+$0x30];
	v35 =	vadd.f32 v39, v37;
	v37 =	vmul.f32 v21, v21  }
0x241: {  	v17 =	vmul.f32 v17, v17;
	v39 =	vld [tilespmem:s14+$0x40];
	v23 =	vadd.f32 v29, v23;
	v29 =	vadd.f32 v32, v34  }
0x242: {  	v19 =	vadd.f32 v19, v36;
	v13 =	vmul.f32 v13, v13;
	v32 =	vmul.f32 v16, v16;
	v21 =	vld [tilespmem:s24+$0xFFFFFF90]  }
0x243: {  	v34 =	vmul.f32 v4, v4;
	v33 =	vadd.f32 v37, v33;
	v16 =	vld [tilespmem:s17+$0xFFFFFF90];
	v30 =	vadd.f32 v30, v23  }
0x244: {  	v19 =	vadd.f32 v19, v26;
	v26 =	vadd.f32 v17, v31;
	v31 =	vmul.f32 v20, v20;
	v23 =	vld [tilespmem:s24+$0xFFFFFFA0]  }
0x245: {  	v22 =	vadd.f32 v22, v27;
	v14 =	vmul.f32 v14, v14;
	v27 =	vadd.f32 v28, v29;
	v17 =	vld [tilespmem:s14+$0xFFFFFF90];
	(xrf2) =	vadd.scan.msk.f32 $0xffff, v30  }
0x246: {  	v25 =	vmul.f32 v25, v25;
	v24 =	vmul.f32 v24, v24;
	v13 =	vadd.f32 v13, v33;
	v29 =	vld [tilespmem:s14+$0xFFFFFFA0];
	v4 =	vmovc v39  }
0x247: {  	v12 =	vmul.f32 v12, v12;
	v26 =	vadd.f32 v34, v26;
	v27 =	vadd.f32 v38, v27;
	v20 =	vld [tilespmem:s14+$0xFFFFFFB0]  }
0x248: {  	v11 =	vmul.f32 v11, v11;
	v15 =	vadd.f32 v15, v22;
	v13 =	vadd.f32 v32, v13;
	v30 =	vld [tilespmem:s14+$0xFFFFFFC0]  }
0x249: {  	v10 =	vmul.f32 v10, v10;
	v14 =	vadd.f32 v14, v26;
	v26 =	vadd.f32 v31, v27;
	v22 =	vld [tilespmem:s14+$0xFFFFFFD0]  }
0x24a: {  	v7 =	vmul.f32 v7, v7;
	v11 =	vadd.f32 v11, v15;
	v28 =	vld [tilespmem:s14+$0xFFFFFFE0]  }
0x24b: {  	v19 =	vadd.f32 v19, v35;
	v12 =	vadd.f32 v12, v14;
	v15 =	vld [tilespmem:s14+$0xFFFFFFF0]  }
0x24c: {  	v7 =	vadd.f32 v7, v11;
	v25 =	vadd.f32 v25, v13;
	v14 =	vld [tilespmem:s17+$0xFFFFFF80]  }
0x24d: {  	v27 =	vmul.f32 v5, v5;
	v10 =	vadd.f32 v10, v12;
	v24 =	vadd.f32 v24, v26;
	v11 =	vld [tilespmem:s17+$0xFFFFFFF0];
	(xrf2) =	vadd.scan.msk.f32 $0xffff, v19  }
0x24e: {  	v12 =	vld [tilespmem:s14+$0xFFFFFF80]  }
0x24f: {  	v13 =	vmul.f32 v3, v3;
	v3 =	vmov v41;
	v10 =	vadd.f32 v27, v10;
	v31 =	vld [tilespmem:s17+$0xFFFFFFB0];
	v5, _, _ =	vpop (xrf2)  }
0x250: {  	v19 =	vld [tilespmem:s17+$0xFFFFFFD0];
	v5 =	vbroadcast v5, $0xF  }
0x251: {  	v8 =	vmul.f32 v8, v8;
	v7 =	vadd.f32 v13, v7;
	v32 =	vmul.f32 v28, v28;
	v26 =	vld [tilespmem:s17+$0xFFFFFFE0]  }
0x252: {  	v34 =	vmov s4;
	v13 =	vmul.f32 v20, v20;
	v33 =	vld [tilespmem:s24+$0xFFFFFFF0]  }
0x253: {  	v6 =	vmul.f32 v6, v6;
	v7 =	vadd.f32 v8, v7;
	v35 =	vmul.f32 v14, v14;
	v27 =	vld [tilespmem:s24+$0xFFFFFFE0]  }
0x254: {  	vm0 =	veq.s32 v34, v0;
	v8 =	vld [tilespmem:s17+$0xFFFFFFC0];
	v36 =	vmul.f32 v31, v31  }
0x255: {  	v38 =	vadd.f32 v6, v7;
	v9 =	vsel vm0, v5, v9;
	v34 =	vld [tilespmem:s24+$0xFFFFFFD0];
	v37 =	vmul.f32 v19, v19  }
0x256: {  	s19 =	sadd.s32 $0x1, s4;
	s4 =	smov.u32 s15;
	v40 =	vmul.f32 v12, v12;
	v39 =	vld [tilespmem:s17+$0xFFFFFFA0];
	v6 =	vmul.f32 v26, v28  }
0x257: {  	v41 =	vmul.f32 v11, v11;
	v5 =	vmov s19;
	v7 =	vld [tilespmem:s17+$0x30];
	v42, _, _ =	vpop (xrf2)  }
0x258: {  	v14 =	vmul.f32 v14, v12;
	vm0 =	veq.s32 v5, v0;
	v28 =	vld [tilespmem:s17+$0x20];
	v12 =	vbroadcast v42, $0xF  }
0x259: {  	v11 =	vmul.f32 v11, v15;
	v42 =	vmul.f32 v8, v8;
	v5 =	vld [tilespmem:s24+$0x40]  }
0x25a: {  	v44 =	vmul.f32 v8, v30;
	v43 =	vld [tilespmem:s24+$0xFFFFFFC0];
	v9 =	vsel vm0, v12, v9  }
0x25b: {  	v45 =	vmul.f32 v33, v11;
	v8 =	vmul.f32 v19, v22;
	v46 =	vld [tilespmem:s14+$0x50]  }
0x25c: {  	v48 =	vmul.f32 v23, v23;
	v47 =	vmul.f32 v27, v6;
	v11 =	vld [tilespmem:s14+$0x70]  }
0x25d: {  	v49 =	vmul.f32 v34, v8;
	v8 =	vadd.f32 v40, v10;
	v10 =	vmul.f32 v39, v39;
	v12 =	vld [tilespmem:s17+$0x40]  }
0x25e: {  	v19 =	vmul.f32 v30, v30;
	v22 =	vmul.f32 v22, v22;
	v6 =	vld [tilespmem:s24+$0x70]  }
0x25f: {  	v38 =	vadd.f32 v13, v38;
	v30 =	vmul.f32 v39, v29;
	v29 =	vmul.f32 v29, v29;
	v13 =	vld [tilespmem:s17+$0x50]  }
0x260: {  	v50 =	vmul.f32 v26, v26;
	v40 =	vmul.f32 v17, v17;
	v8 =	vadd.f32 v19, v8;
	v39 =	vld [tilespmem:s24+$0xFFFFFFB0]  }
0x261: {  	v19 =	vadd.f32 v29, v24;
	v24 =	vmul.f32 v16, v16;
	v51 =	vld [tilespmem:s24+$0xFFFFFF80];
	v26 =	vmul.f32 v3, v11  }
0x262: {  	v15 =	vmul.f32 v15, v15;
	v16 =	vmul.f32 v16, v17;
	v17 =	vadd.f32 v40, v25;
	v40 =	vld [tilespmem:s14+$0x20]  }
0x263: {  	v25 =	vadd.f32 v32, v19;
	v29 =	vmul.f32 v12, v4;
	v32 =	vld [tilespmem:s14+$0x10];
	v19 =	vmul.f32 v6, v26  }
0x264: {  	v38 =	vadd.f32 v15, v38;
	v52 =	vmul.f32 v21, v16;
	v22 =	vadd.f32 v22, v17;
	v17 =	vld [tilespmem:s14+$0x0]  }
0x265: {  	v53 =	vmul.f32 v21, v21;
	v35 =	vadd.f32 v35, v8;
	v54 =	vmul.f32 v39, v39;
	v16 =	vld [tilespmem:s24+$0x10]  }
0x266: {  	v8 =	vadd.f32 v24, v22;
	v26 =	vmul.f32 v5, v29;
	v55 =	vmul.f32 v51, v14;
	v21 =	vld [tilespmem:s17+$0x10]  }
0x267: {  	v56 =	vmul.f32 v7, v18;
	v24 =	vadd.f32 v10, v25;
	v14 =	vld [tilespmem:s17+$0x0];
	v25 =	vmul.f32 v28, v40  }
0x268: {  	v15 =	vmul.f32 v18, v18;
	v10 =	vadd.f32 v37, v8;
	v29 =	vmul.f32 v23, v30;
	v8 =	vld [tilespmem:s24+$0x30]  }
0x269: {  	v31 =	vmul.f32 v31, v20;
	v18 =	vmul.f32 v34, v34;
	v23 =	vadd.f32 v52, v55;
	v20 =	vld [tilespmem:s24+$0x20]  }
0x26a: {  	v22 =	vmul.f32 v33, v33;
	v33 =	vmul.f32 v13, v46;
	v30 =	vadd.f32 v53, v10;
	v10 =	vld [tilespmem:s24+$0x0]  }
0x26b: {  	v34 =	vmul.f32 v43, v44;
	v24 =	vadd.f32 v50, v24;
	v37 =	vld [tilespmem:s14+$0x60];
	v44 =	vmul.f32 v21, v32  }
0x26c: {  	v46 =	vmul.f32 v46, v46;
	v50 =	vadd.f32 v18, v30;
	v18 =	vld [tilespmem:s17+$0x60];
	v52 =	vmul.f32 v14, v17  }
0x26d: {  	v30 =	vadd.f32 v49, v34;
	v34 =	vadd.f32 v48, v24;
	v48 =	vmul.f32 v8, v56  }
0x26e: {  	v36 =	vadd.f32 v36, v38;
	v38 =	vmul.f32 v51, v51;
	v49 =	vmul.f32 v20, v25  }
0x26f: {  	v43 =	vmul.f32 v43, v43;
	v42 =	vadd.f32 v42, v35;
	v24 =	vld [tilespmem:s24+$0x60];
	v51 =	vmul.f32 v10, v52  }
0x270: {  	v36 =	vadd.f32 v41, v36;
	v41 =	vmul.f32 v16, v44;
	v44 =	vmul.f32 v32, v32;
	v25 =	vld [tilespmem:s24+$0x50]  }
0x271: {  	v35 =	vadd.f32 v45, v47;
	v45 =	vmul.f32 v27, v27;
	v47 =	vmul.f32 v18, v37  }
.Ltmp6:
0x272: {  	v27 =	vadd.f32 v54, v36;
	v42 =	vadd.f32 v38, v42;
	v32 =	vmul.f32 v37, v37;
	(pc) =	sbr.rel @p0 .LBB2_15-.Ltmp6, $4  }
0x273: {  	v34 =	vadd.f32 v45, v34;
	v37 =	vadd.f32 v41, v51;
	v41 =	vmul.f32 v40, v40  }
0x274: {  	v38 =	vmul.f32 v39, v31;
	v44 =	vadd.f32 v44, v50;
	v36 =	vmul.f32 v24, v47  }
0x275: {  	v31 =	vadd.f32 v43, v42;
	v34 =	vadd.f32 v41, v34;
	v40 =	vmul.f32 v25, v33  }
0x276: {  	v28 =	vmul.f32 v28, v28;
	s17 =	sadd.s32 $0x100, s17;
	v39 =	vadd.f32 v48, v49;
	v33 =	vadd.f32 v46, v44  }
0x277: {  	v29 =	vadd.f32 v38, v29  }
0x278: {  	v26 =	vadd.f32 v40, v26;
	v19 =	vadd.f32 v19, v36  }
0x279: {  	v30 =	vadd.f32 v35, v30;
	v23 =	vadd.f32 v29, v23  }
0x27a: {  	v55 =	vadd.f32 v39, v37;
	v19 =	vadd.f32 v19, v26  }
0x27b: {  	v23 =	vadd.f32 v30, v23  }
0x27c: {  	v19 =	vadd.f32 v19, v55  }
0x27d: {  	(xrf2) =	vadd.scan.msk.f32 $0xffff, v23  }
0x27e: {  	(xrf2) =	vadd.scan.msk.f32 $0xffff, v19;
	_ =	sdelay $0x8  }
0x27f: {  	v56, _, _ =	vpop (xrf2)  }
0x280: {  	v57 =	vmov s4;
	s19 =	sadd.s32 $0x1, s4;
	v19 =	vbroadcast v56, $0xF;
	v58, _, _ =	vpop (xrf2)  }
0x281: {  	vm0 =	veq.s32 v57, v0;
	v59 =	vmov s19;
	v26 =	vbroadcast v58, $0xF  }
0x282: {  	vm15 =	veq.s32 v59, v0;
	v9 =	vsel vm0, v19, v9  }
0x283: {  	v9 =	vsel vm15, v26, v9  }
0x284: {  	v9 =	vmul.f32 v9, v1;
	_ =	sdelay $0x1  }
0x285: {  	v9 =	vadd.f32 v9, v2;
	_ =	sdelay $0x1  }
0x286: {  	v9 =	vsub.f32 $0.0e+00, v9;
	_ =	sdelay $0x1  }
0x287: {  	v9 =	vmul.f32 $1.442695020e+00, v9;
	_ =	sdelay $0x1  }
0x288: {  	(erf) = vpow2.f32 v9;
	_ =	sdelay $0x7  }
0x289: {  	v60 =	vmul.f32 v21, v21;
	v17 =	vmul.f32 v17, v17  }
0x28a: {  	v61 =	vadd.f32 v32, v34;
	v13 =	vmul.f32 v13, v13;
	v16 =	vmul.f32 v16, v16;
	v62 =	vpop (erf)  }
0x28b: {  	v22 =	vadd.f32 v22, v27;
	v4 =	vmul.f32 v4, v4;
	v21 =	vadd.f32 $1.000000000e+00, v62  }
0x28c: {  	v11 =	vmul.f32 v11, v11;
	v20 =	vmul.f32 v20, v20;
	v17 =	vadd.f32 v17, v31  }
0x28d: {  	v14 =	vmul.f32 v14, v14;
	v15 =	vadd.f32 v15, v22;
	(erf) = vrcp.f32 v21  }
0x28e: {  	v63 =	vadd.f32 v28, v61;
	v4 =	vadd.f32 v4, v17;
	v9 =	vmul.f32 v18, v18  }
0x28f: {  	v7 =	vmul.f32 v7, v7;
	v12 =	vmul.f32 v12, v12;
	v11 =	vadd.f32 v11, v15  }
0x290: {  	v3 =	vmul.f32 v3, v3;
	v4 =	vadd.f32 v14, v4;
	v9 =	vadd.f32 v9, v63  }
0x291: {  	v10 =	vmul.f32 v10, v10;
	s24 =	sshll.u32 s3, $0x4;
	s3 =	sadd.s32 $0x1, s3;
	v7 =	vadd.f32 v7, v11;
	v18 =	vadd.f32 v60, v33  }
0x292: {  	v5 =	vmul.f32 v5, v5;
	p0 =	sne.s32 s3, $0x8;
	v4 =	vadd.f32 v12, v4;
	v9 =	vadd.f32 v20, v9  }
.Ltmp7:
0x293: {  	v3 =	vadd.f32 v3, v7;
	v7 =	vmul.f32 v8, v8;
	v13 =	vadd.f32 v13, v18;
	(pc) =	sbr.rel @p0 .LBB2_14-.Ltmp7, $4  }
0x294: {  	v14 =	vmul.f32 v25, v25;
	v12 =	vmul.f32 v24, v24;
	v4 =	vadd.f32 v10, v4  }
0x295: {  	v3 =	vadd.f32 v7, v3;
	v7 =	vmul.f32 v6, v6;
	v11 =	vadd.f32 v16, v13  }
0x296: {  	s4 =	sand.u32 $0x3FFFFFF0, s24;
	v6 =	vadd.f32 v5, v4;
	v10 =	vadd.f32 v12, v9;
	v9 =	vpop (erf)  }
0x297: {  	s30 =	sadd.s32 $0x800, s30;
	s31 =	sadd.s32 $0x800, s31;
	s0 =	sadd.s32 $0x800, s0;
	v13 =	vadd.f32 v7, v3;
	v8 =	vadd.f32 v14, v11;
	[tilespmem:s4+$0x18780] =	vst v9  }
0x298: {  	_ = 	snop  }
0x299: {  	v1 =	vadd.f32 v8, v6;
	v2 =	vadd.f32 v13, v10;
	_ =	sdelay $0x1  }
0x29a: {  	v1 =	vadd.f32 v2, v1;
	_ =	sdelay $0x1  }
0x29b: {  	s0 =	simm.s32 $0x18600;
	[tilespmem:$0x18900] =	vst v1  }
0x29c: {  	[hbm4b:s10+s5] =	stream.linear.scatter [tilespmem:s0], [sflag:$0x3], $0x200, $0x38;
	[tilespmem:$0x18980] =	vst v63  }
0x29d: {  	s26 =	sadd.s32 $0x1, s26;
	_ =	swait.ge [sflag:s13], $0x200  }
0x29e: {  	p0 =	sne.s32 s26, s12;
	[sflag:s13] =	ssyncset.done $0x0  }
.Ltmp8:
0x29f: {  	s31 =	simm.s32 $0x18900;
	[sflag:s13] =	ssyncadd.s32 $0xFFFFFE00;
	(pc) =	sbr.rel @p0 .LBB2_1-.Ltmp8, $4  }
0x2a0: {  	[hbm4b:s11+s5] =	stream.linear.scatter [tilespmem:s31], [sflag:$0x3], $0x80, $0x38;
	[tilespmem:$0x18980] =	vst v63  }
0x2a1: {  	_ =	swait.ge [sflag:s13], $0x80  }
0x2a2: {  	[sflag:s13] =	ssyncset.done $0x0  }
0x2a3: {  	[sflag:s13] =	ssyncadd.s32 $0xFFFFFF80  }
0x2a4: {  	_ =	sfence.sel $0x180000  }
0x2a5: {  	[bflag:$0x0] =	sbarrier.arrive $0xFFFF  }
0x2a6: {  	_ =	strace $0x90000047  }
0x2a7: {  	s0 =	stileid.u32;
	[bflag:$0x2] =	sbarrier.arrive $0xFFFF  }
0x2a8: {  	p0 =	sne.s32 s0, $0x0;
	s0 =	rddreg [dreg:$0x5]  }
0x2a9: {  	s0 =	sadd.s32 @!p0 $0x100000, s0  }
0x2aa: {  	[sflag:s0] =	ssyncadd.tile.s32 @!p0 $0x1;
	_ =	shalt  }
.Lfunc_end2:
_tile_overlayer_lowered:
.L_overlay_start_2:
0x2ab: {  	(tag) =	ssettag $0x2  }
0x2ac: {  	s0 =	rddreg [dreg:$0x0];
	s2 =	stileid.u32  }
0x2ad: {  	s1 =	rddreg [dreg:$0x1];
	p0 =	sne.s32 s2, $0x0  }
0x2ae: {  	s3 =	rddreg [dreg:$0x2];
	[bflag:$0x3] =	sbarrier.arrive $0xFFFF;
	s2 =	simm.s32 @!p0 $0x1C03  }
0x2af: {  	[timem:s3], [sflag:s2] =	dma.local @!p0 [hbm:s0], s1  }
0x2b0: {  	s0 =	simm.s32 @!p0 $0x3  }
0x2b1: {  	_ =	swait.ge @!p0 [sflag:s0], s1  }
0x2b2: {  	s1 =	ssub.s32 @!p0 $0x0, s1;
	[sflag:s0] =	ssyncset.done @!p0 $0x0  }
0x2b3: {  	[sflag:s0] =	ssyncadd.s32 @!p0 s1  }
0x2b4: {  	[bflag:$0x3] =	sbarrier.arrive $0xFFFF  }
0x2b5: {  	_ =	shalt  }

</sc_bundles>
